<compile_context>
chip_gen: v7x
topology: tpu7x:2x2x1
jax: 0.10.2.dev20260603
libtpu: 0.0.44.dev20260713+nightly
codegen_flags: <defaults>
</compile_context>

<pallas_src>
import functools

import jax
import jax.numpy as jnp
from jax import lax
from jax.experimental import pallas as pl
from jax.experimental.pallas import tpu as pltpu
from jax.experimental.pallas import tpu_sc as plsc

_N_ITEMS = 1000000
_H = 64
_COLS_PER_BLK = 40960


def _matvec_body(wt_ref, tt_ref, b_ref, out_ref):
    res = jnp.dot(wt_ref[...], tt_ref[...], preferred_element_type=jnp.float32)
    out_ref[...] = res[0] + b_ref[0, 0]


def _table_matvec(tableT, W, b):
    nblk = pl.cdiv(_N_ITEMS, _COLS_PER_BLK)
    out = pl.pallas_call(
        _matvec_body,
        grid=(nblk,),
        in_specs=[
            pl.BlockSpec((1, _H), lambda i: (0, 0)),
            pl.BlockSpec((_H, _COLS_PER_BLK), lambda i: (0, i)),
            pl.BlockSpec((1, 1), lambda i: (0, 0)),
        ],
        out_specs=pl.BlockSpec((_COLS_PER_BLK,), lambda i: (i,)),
        out_shape=jax.ShapeDtypeStruct((_N_ITEMS,), jnp.float32),
    )(W.reshape(1, _H), tableT, b.reshape(1, 1))
    return out


def _make_gather(hist, bsz):
    n_idx = hist * bsz
    nw = 32
    per_w = n_idx // nw
    piece = 1024
    n_piece = per_w // piece
    assert n_idx % nw == 0 and per_w % piece == 0 and bsz % piece == 0
    mesh = plsc.VectorSubcoreMesh(core_axis_name="c", subcore_axis_name="s")

    @functools.partial(
        pl.kernel,
        mesh=mesh,
        out_type=jax.ShapeDtypeStruct((n_idx,), jnp.float32),
        scratch_types=[
            pltpu.VMEM((per_w,), jnp.int32),
            pltpu.VMEM((per_w,), jnp.float32),
            pltpu.SemaphoreType.DMA,
        ],
    )
    def _gather(tw_hbm, x_hbm, out_hbm, idx_v, val_v, sem):
        wid = lax.axis_index("s") * 2 + lax.axis_index("c")
        base = wid * per_w
        copies = []
        for p in range(n_piece):
            flat = base + p * piece
            r = flat // bsz
            c = flat % bsz
            copies.append(pltpu.async_copy(
                x_hbm.at[r, pl.ds(c, piece)],
                idx_v.at[pl.ds(p * piece, piece)], sem))
        for cp in copies:
            cp.wait()
        pltpu.async_copy(tw_hbm.at[idx_v], val_v, sem).wait()
        pltpu.sync_copy(val_v, out_hbm.at[pl.ds(base, per_w)])

    return _gather


def kernel(x, table, W, b):
    bsz, hist = x.shape
    tw = _table_matvec(table.T, W, b)
    out = _make_gather(hist, bsz)(tw, x.T.astype(jnp.int32))
    return out.reshape(hist, bsz, 1).transpose(1, 0, 2)

# --- scband reference (transcript-rebuilt; emitter-appended) ---
"""Pipeline reference for scband-neural-utility-12850542149675 (READ-ONLY COPY).

The authoritative reference and input builder live on the scoring server;
editing this copy changes nothing except your own understanding.
"""

import jax, jax.numpy as jnp
import numpy as np

N_ITEMS = 1000000
H_DIM = 64
BATCH = 16384
HIST = 50


def setup_inputs(seed: int = 0) -> dict:
    key = jax.random.key(seed)
    k1, k2, k3 = jax.random.split(key, 3)
    x = jax.random.randint(k1, (BATCH, HIST), 0, N_ITEMS, dtype=jnp.int64) if jax.config.jax_enable_x64 else jax.random.randint(k1, (BATCH, HIST), 0, N_ITEMS)
    table = jax.random.normal(k2, (N_ITEMS, H_DIM), dtype=jnp.float32) * 0.02
    W = jax.random.normal(k3, (H_DIM, 1), dtype=jnp.float32) * 0.05
    b = jnp.zeros((1,), dtype=jnp.float32)
    return {"x": x, "table": table, "W": W, "b": b}


def reference(x, table, W, b):
    # EmbeddingGrad: differentiable embedding lookup == gather rows of the table
    e_i = jnp.take(table, x, axis=0)          # [B, L, H]
    # backbone: simple linear scoring head applied to each embedded item
    y_hat = e_i @ W + b                       # [B, L, 1]
    return y_hat

if __name__ == "__main__":
    import jax
    _d = setup_inputs()
    print(jax.jit(kernel)(*tuple(_d.values())))

</pallas_src>

<mosaic_0001>
#map = affine_map<(d0, d1) -> (0)>
#map1 = affine_map<(d0, d1) -> (0, 0)>
module attributes {stable_mosaic.version = 14 : i64} {
  func.func @_gather(%arg0: i32, %arg1: i32, %arg2: memref<1000000xf32, #tpu.memory_space<hbm>>, %arg3: memref<50x16384xi32, #tpu.memory_space<hbm>>, %arg4: memref<819200xf32, #tpu.memory_space<hbm>>, %arg5: memref<25600xi32, #tpu.memory_space<vmem>>, %arg6: memref<25600xf32, #tpu.memory_space<vmem>>, %arg7: memref<!tpu.dma_semaphore, #tpu.memory_space<semaphore_mem>>) attributes {dimension_semantics = [#tpu.dimension_semantics<core_parallel>, #tpu.dimension_semantics<subcore_parallel>], iteration_bounds = array<i64: 2, 16>, scalar_prefetch = 0 : i64, scratch_operands = 3 : i64, tpu.core_type = #tpu.core_type<sc_vector_subcore>, window_params = [{transform_indices = #map}, {transform_indices = #map1}, {transform_indices = #map}]} {
    %mul3A = arith.constant 2 : i32
    %mul3A_0 = arith.muli %arg1, %mul3A : i32
    %add3A = arith.addi %mul3A_0, %arg0 : i32
    %mul3A_1 = arith.constant 25600 : i32
    %mul3A_2 = arith.muli %add3A, %mul3A_1 : i32
    %add3A_3 = arith.constant 0 : i32
    %add3A_4 = arith.addi %mul3A_2, %add3A_3 : i32
    %jit3A = arith.constant 16384 : i32
    %div3A = arith.divsi %add3A_4, %jit3A : i32
    %sign3A = arith.constant 0 : i32
    %sign3A_5 = arith.cmpi sgt, %add3A_4, %sign3A : i32
    %sign3A_6 = arith.extui %sign3A_5 : i1 to i32
    %sign3A_7 = arith.constant 0 : i32
    %sign3A_8 = arith.cmpi slt, %add3A_4, %sign3A_7 : i32
    %sign3A_9 = arith.extui %sign3A_8 : i1 to i32
    %sign3A_10 = arith.subi %sign3A_6, %sign3A_9 : i32
    %sign3A_11 = arith.constant 0 : i32
    %sign3A_12 = arith.cmpi sgt, %jit3A, %sign3A_11 : i32
    %sign3A_13 = arith.extui %sign3A_12 : i1 to i32
    %sign3A_14 = arith.constant 0 : i32
    %sign3A_15 = arith.cmpi slt, %jit3A, %sign3A_14 : i32
    %sign3A_16 = arith.extui %sign3A_15 : i1 to i32
    %sign3A_17 = arith.subi %sign3A_13, %sign3A_16 : i32
    %ne3A = arith.cmpi ne, %sign3A_10, %sign3A_17 : i32
    %rem3A = arith.remsi %add3A_4, %jit3A : i32
    %ne3A_18 = arith.constant 0 : i32
    %ne3A_19 = arith.cmpi ne, %rem3A, %ne3A_18 : i32
    %and3A = arith.andi %ne3A, %ne3A_19 : i1
    %sub3A = arith.constant 1 : i32
    %sub3A_20 = arith.subi %div3A, %sub3A : i32
    %select_n3A = arith.select %and3A, %sub3A_20, %div3A : i32
    %jit3A_21 = arith.constant 16384 : i32
    %eq3A = arith.constant 0 : i32
    %eq3A_22 = arith.cmpi eq, %jit3A_21, %eq3A : i32
    %jit3A_23 = arith.constant 1 : i32
    %select_n3A_24 = arith.select %eq3A_22, %jit3A_23, %jit3A_21 : i32
    %rem3A_25 = arith.remsi %add3A_4, %select_n3A_24 : i32
    %ne3A_26 = arith.constant 0 : i32
    %ne3A_27 = arith.cmpi ne, %rem3A_25, %ne3A_26 : i32
    %lt3A = arith.constant 0 : i32
    %lt3A_28 = arith.cmpi slt, %rem3A_25, %lt3A : i32
    %lt3A_29 = arith.constant 0 : i32
    %lt3A_30 = arith.cmpi slt, %select_n3A_24, %lt3A_29 : i32
    %ne3A_31 = arith.xori %lt3A_28, %lt3A_30 : i1
    %and3A_32 = arith.andi %ne3A_31, %ne3A_27 : i1
    %add3A_33 = arith.addi %rem3A_25, %select_n3A_24 : i32
    %select_n3A_34 = arith.select %and3A_32, %add3A_33, %rem3A_25 : i32
    %dma_start3A = arith.constant 0 : i32
    %dma_start3A_35 = tpu.memref_slice %arg5[%dma_start3A] : memref<25600xi32, #tpu.memory_space<vmem>> -> memref<1024xi32, #tpu.memory_space<vmem>>
    %dma_start3A_36 = tpu.memref_slice %arg3[%select_n3A, %select_n3A_34] : memref<50x16384xi32, #tpu.memory_space<hbm>> -> memref<1x1024xi32, #tpu.memory_space<hbm>>
    %dma_start3A_37 = tpu.memref_squeeze %dma_start3A_36 : memref<1x1024xi32, #tpu.memory_space<hbm>> -> memref<1024xi32, #tpu.memory_space<hbm>>
    %dma_start3A_38 = arith.constant 0 : i32
    %dma_start3A_39 = tpu.memref_slice %arg5[%dma_start3A_38] : memref<25600xi32, #tpu.memory_space<vmem>> -> memref<1024xi32, #tpu.memory_space<vmem>>
    %dma_start3A_40 = tpu.memref_slice %arg3[%select_n3A, %select_n3A_34] : memref<50x16384xi32, #tpu.memory_space<hbm>> -> memref<1x1024xi32, #tpu.memory_space<hbm>>
    %dma_start3A_41 = tpu.memref_squeeze %dma_start3A_40 : memref<1x1024xi32, #tpu.memory_space<hbm>> -> memref<1024xi32, #tpu.memory_space<hbm>>
    tpu.enqueue_dma source(%dma_start3A_41 : memref<1024xi32, #tpu.memory_space<hbm>>) target(%dma_start3A_39 : memref<1024xi32, #tpu.memory_space<vmem>>) target_semaphore(%arg7 : memref<!tpu.dma_semaphore, #tpu.memory_space<semaphore_mem>>)
    %add3A_42 = arith.constant 1024 : i32
    %add3A_43 = arith.addi %mul3A_2, %add3A_42 : i32
    %jit3A_44 = arith.constant 16384 : i32
    %div3A_45 = arith.divsi %add3A_43, %jit3A_44 : i32
    %sign3A_46 = arith.constant 0 : i32
    %sign3A_47 = arith.cmpi sgt, %add3A_43, %sign3A_46 : i32
    %sign3A_48 = arith.extui %sign3A_47 : i1 to i32
    %sign3A_49 = arith.constant 0 : i32
    %sign3A_50 = arith.cmpi slt, %add3A_43, %sign3A_49 : i32
    %sign3A_51 = arith.extui %sign3A_50 : i1 to i32
    %sign3A_52 = arith.subi %sign3A_48, %sign3A_51 : i32
    %sign3A_53 = arith.constant 0 : i32
    %sign3A_54 = arith.cmpi sgt, %jit3A_44, %sign3A_53 : i32
    %sign3A_55 = arith.extui %sign3A_54 : i1 to i32
    %sign3A_56 = arith.constant 0 : i32
    %sign3A_57 = arith.cmpi slt, %jit3A_44, %sign3A_56 : i32
    %sign3A_58 = arith.extui %sign3A_57 : i1 to i32
    %sign3A_59 = arith.subi %sign3A_55, %sign3A_58 : i32
    %ne3A_60 = arith.cmpi ne, %sign3A_52, %sign3A_59 : i32
    %rem3A_61 = arith.remsi %add3A_43, %jit3A_44 : i32
    %ne3A_62 = arith.constant 0 : i32
    %ne3A_63 = arith.cmpi ne, %rem3A_61, %ne3A_62 : i32
    %and3A_64 = arith.andi %ne3A_60, %ne3A_63 : i1
    %sub3A_65 = arith.constant 1 : i32
    %sub3A_66 = arith.subi %div3A_45, %sub3A_65 : i32
    %select_n3A_67 = arith.select %and3A_64, %sub3A_66, %div3A_45 : i32
    %jit3A_68 = arith.constant 16384 : i32
    %eq3A_69 = arith.constant 0 : i32
    %eq3A_70 = arith.cmpi eq, %jit3A_68, %eq3A_69 : i32
    %jit3A_71 = arith.constant 1 : i32
    %select_n3A_72 = arith.select %eq3A_70, %jit3A_71, %jit3A_68 : i32
    %rem3A_73 = arith.remsi %add3A_43, %select_n3A_72 : i32
    %ne3A_74 = arith.constant 0 : i32
    %ne3A_75 = arith.cmpi ne, %rem3A_73, %ne3A_74 : i32
    %lt3A_76 = arith.constant 0 : i32
    %lt3A_77 = arith.cmpi slt, %rem3A_73, %lt3A_76 : i32
    %lt3A_78 = arith.constant 0 : i32
    %lt3A_79 = arith.cmpi slt, %select_n3A_72, %lt3A_78 : i32
    %ne3A_80 = arith.xori %lt3A_77, %lt3A_79 : i1
    %and3A_81 = arith.andi %ne3A_80, %ne3A_75 : i1
    %add3A_82 = arith.addi %rem3A_73, %select_n3A_72 : i32
    %select_n3A_83 = arith.select %and3A_81, %add3A_82, %rem3A_73 : i32
    %dma_start3A_84 = arith.constant 1024 : i32
    %dma_start3A_85 = tpu.memref_slice %arg5[%dma_start3A_84] : memref<25600xi32, #tpu.memory_space<vmem>> -> memref<1024xi32, #tpu.memory_space<vmem>>
    %dma_start3A_86 = tpu.memref_slice %arg3[%select_n3A_67, %select_n3A_83] : memref<50x16384xi32, #tpu.memory_space<hbm>> -> memref<1x1024xi32, #tpu.memory_space<hbm>>
    %dma_start3A_87 = tpu.memref_squeeze %dma_start3A_86 : memref<1x1024xi32, #tpu.memory_space<hbm>> -> memref<1024xi32, #tpu.memory_space<hbm>>
    %dma_start3A_88 = arith.constant 1024 : i32
    %dma_start3A_89 = tpu.memref_slice %arg5[%dma_start3A_88] : memref<25600xi32, #tpu.memory_space<vmem>> -> memref<1024xi32, #tpu.memory_space<vmem>>
    %dma_start3A_90 = tpu.memref_slice %arg3[%select_n3A_67, %select_n3A_83] : memref<50x16384xi32, #tpu.memory_space<hbm>> -> memref<1x1024xi32, #tpu.memory_space<hbm>>
    %dma_start3A_91 = tpu.memref_squeeze %dma_start3A_90 : memref<1x1024xi32, #tpu.memory_space<hbm>> -> memref<1024xi32, #tpu.memory_space<hbm>>
    tpu.enqueue_dma source(%dma_start3A_91 : memref<1024xi32, #tpu.memory_space<hbm>>) target(%dma_start3A_89 : memref<1024xi32, #tpu.memory_space<vmem>>) target_semaphore(%arg7 : memref<!tpu.dma_semaphore, #tpu.memory_space<semaphore_mem>>)
    %add3A_92 = arith.constant 2048 : i32
    %add3A_93 = arith.addi %mul3A_2, %add3A_92 : i32
    %jit3A_94 = arith.constant 16384 : i32
    %div3A_95 = arith.divsi %add3A_93, %jit3A_94 : i32
    %sign3A_96 = arith.constant 0 : i32
    %sign3A_97 = arith.cmpi sgt, %add3A_93, %sign3A_96 : i32
    %sign3A_98 = arith.extui %sign3A_97 : i1 to i32
    %sign3A_99 = arith.constant 0 : i32
    %sign3A_100 = arith.cmpi slt, %add3A_93, %sign3A_99 : i32
    %sign3A_101 = arith.extui %sign3A_100 : i1 to i32
    %sign3A_102 = arith.subi %sign3A_98, %sign3A_101 : i32
    %sign3A_103 = arith.constant 0 : i32
    %sign3A_104 = arith.cmpi sgt, %jit3A_94, %sign3A_103 : i32
    %sign3A_105 = arith.extui %sign3A_104 : i1 to i32
    %sign3A_106 = arith.constant 0 : i32
    %sign3A_107 = arith.cmpi slt, %jit3A_94, %sign3A_106 : i32
    %sign3A_108 = arith.extui %sign3A_107 : i1 to i32
    %sign3A_109 = arith.subi %sign3A_105, %sign3A_108 : i32
    %ne3A_110 = arith.cmpi ne, %sign3A_102, %sign3A_109 : i32
    %rem3A_111 = arith.remsi %add3A_93, %jit3A_94 : i32
    %ne3A_112 = arith.constant 0 : i32
    %ne3A_113 = arith.cmpi ne, %rem3A_111, %ne3A_112 : i32
    %and3A_114 = arith.andi %ne3A_110, %ne3A_113 : i1
    %sub3A_115 = arith.constant 1 : i32
    %sub3A_116 = arith.subi %div3A_95, %sub3A_115 : i32
    %select_n3A_117 = arith.select %and3A_114, %sub3A_116, %div3A_95 : i32
    %jit3A_118 = arith.constant 16384 : i32
    %eq3A_119 = arith.constant 0 : i32
    %eq3A_120 = arith.cmpi eq, %jit3A_118, %eq3A_119 : i32
    %jit3A_121 = arith.constant 1 : i32
    %select_n3A_122 = arith.select %eq3A_120, %jit3A_121, %jit3A_118 : i32
    %rem3A_123 = arith.remsi %add3A_93, %select_n3A_122 : i32
    %ne3A_124 = arith.constant 0 : i32
    %ne3A_125 = arith.cmpi ne, %rem3A_123, %ne3A_124 : i32
    %lt3A_126 = arith.constant 0 : i32
    %lt3A_127 = arith.cmpi slt, %rem3A_123, %lt3A_126 : i32
    %lt3A_128 = arith.constant 0 : i32
    %lt3A_129 = arith.cmpi slt, %select_n3A_122, %lt3A_128 : i32
    %ne3A_130 = arith.xori %lt3A_127, %lt3A_129 : i1
    %and3A_131 = arith.andi %ne3A_130, %ne3A_125 : i1
    %add3A_132 = arith.addi %rem3A_123, %select_n3A_122 : i32
    %select_n3A_133 = arith.select %and3A_131, %add3A_132, %rem3A_123 : i32
    %dma_start3A_134 = arith.constant 2048 : i32
    %dma_start3A_135 = tpu.memref_slice %arg5[%dma_start3A_134] : memref<25600xi32, #tpu.memory_space<vmem>> -> memref<1024xi32, #tpu.memory_space<vmem>>
    %dma_start3A_136 = tpu.memref_slice %arg3[%select_n3A_117, %select_n3A_133] : memref<50x16384xi32, #tpu.memory_space<hbm>> -> memref<1x1024xi32, #tpu.memory_space<hbm>>
    %dma_start3A_137 = tpu.memref_squeeze %dma_start3A_136 : memref<1x1024xi32, #tpu.memory_space<hbm>> -> memref<1024xi32, #tpu.memory_space<hbm>>
    %dma_start3A_138 = arith.constant 2048 : i32
    %dma_start3A_139 = tpu.memref_slice %arg5[%dma_start3A_138] : memref<25600xi32, #tpu.memory_space<vmem>> -> memref<1024xi32, #tpu.memory_space<vmem>>
    %dma_start3A_140 = tpu.memref_slice %arg3[%select_n3A_117, %select_n3A_133] : memref<50x16384xi32, #tpu.memory_space<hbm>> -> memref<1x1024xi32, #tpu.memory_space<hbm>>
    %dma_start3A_141 = tpu.memref_squeeze %dma_start3A_140 : memref<1x1024xi32, #tpu.memory_space<hbm>> -> memref<1024xi32, #tpu.memory_space<hbm>>
    tpu.enqueue_dma source(%dma_start3A_141 : memref<1024xi32, #tpu.memory_space<hbm>>) target(%dma_start3A_139 : memref<1024xi32, #tpu.memory_space<vmem>>) target_semaphore(%arg7 : memref<!tpu.dma_semaphore, #tpu.memory_space<semaphore_mem>>)
    %add3A_142 = arith.constant 3072 : i32
    %add3A_143 = arith.addi %mul3A_2, %add3A_142 : i32
    %jit3A_144 = arith.constant 16384 : i32
    %div3A_145 = arith.divsi %add3A_143, %jit3A_144 : i32
    %sign3A_146 = arith.constant 0 : i32
    %sign3A_147 = arith.cmpi sgt, %add3A_143, %sign3A_146 : i32
    %sign3A_148 = arith.extui %sign3A_147 : i1 to i32
    %sign3A_149 = arith.constant 0 : i32
    %sign3A_150 = arith.cmpi slt, %add3A_143, %sign3A_149 : i32
    %sign3A_151 = arith.extui %sign3A_150 : i1 to i32
    %sign3A_152 = arith.subi %sign3A_148, %sign3A_151 : i32
    %sign3A_153 = arith.constant 0 : i32
    %sign3A_154 = arith.cmpi sgt, %jit3A_144, %sign3A_153 : i32
    %sign3A_155 = arith.extui %sign3A_154 : i1 to i32
    %sign3A_156 = arith.constant 0 : i32
    %sign3A_157 = arith.cmpi slt, %jit3A_144, %sign3A_156 : i32
    %sign3A_158 = arith.extui %sign3A_157 : i1 to i32
    %sign3A_159 = arith.subi %sign3A_155, %sign3A_158 : i32
    %ne3A_160 = arith.cmpi ne, %sign3A_152, %sign3A_159 : i32
    %rem3A_161 = arith.remsi %add3A_143, %jit3A_144 : i32
    %ne3A_162 = arith.constant 0 : i32
    %ne3A_163 = arith.cmpi ne, %rem3A_161, %ne3A_162 : i32
    %and3A_164 = arith.andi %ne3A_160, %ne3A_163 : i1
    %sub3A_165 = arith.constant 1 : i32
    %sub3A_166 = arith.subi %div3A_145, %sub3A_165 : i32
    %select_n3A_167 = arith.select %and3A_164, %sub3A_166, %div3A_145 : i32
    %jit3A_168 = arith.constant 16384 : i32
    %eq3A_169 = arith.constant 0 : i32
    %eq3A_170 = arith.cmpi eq, %jit3A_168, %eq3A_169 : i32
    %jit3A_171 = arith.constant 1 : i32
    %select_n3A_172 = arith.select %eq3A_170, %jit3A_171, %jit3A_168 : i32
    %rem3A_173 = arith.remsi %add3A_143, %select_n3A_172 : i32
    %ne3A_174 = arith.constant 0 : i32
    %ne3A_175 = arith.cmpi ne, %rem3A_173, %ne3A_174 : i32
    %lt3A_176 = arith.constant 0 : i32
    %lt3A_177 = arith.cmpi slt, %rem3A_173, %lt3A_176 : i32
    %lt3A_178 = arith.constant 0 : i32
    %lt3A_179 = arith.cmpi slt, %select_n3A_172, %lt3A_178 : i32
    %ne3A_180 = arith.xori %lt3A_177, %lt3A_179 : i1
    %and3A_181 = arith.andi %ne3A_180, %ne3A_175 : i1
    %add3A_182 = arith.addi %rem3A_173, %select_n3A_172 : i32
    %select_n3A_183 = arith.select %and3A_181, %add3A_182, %rem3A_173 : i32
    %dma_start3A_184 = arith.constant 3072 : i32
    %dma_start3A_185 = tpu.memref_slice %arg5[%dma_start3A_184] : memref<25600xi32, #tpu.memory_space<vmem>> -> memref<1024xi32, #tpu.memory_space<vmem>>
    %dma_start3A_186 = tpu.memref_slice %arg3[%select_n3A_167, %select_n3A_183] : memref<50x16384xi32, #tpu.memory_space<hbm>> -> memref<1x1024xi32, #tpu.memory_space<hbm>>
    %dma_start3A_187 = tpu.memref_squeeze %dma_start3A_186 : memref<1x1024xi32, #tpu.memory_space<hbm>> -> memref<1024xi32, #tpu.memory_space<hbm>>
    %dma_start3A_188 = arith.constant 3072 : i32
    %dma_start3A_189 = tpu.memref_slice %arg5[%dma_start3A_188] : memref<25600xi32, #tpu.memory_space<vmem>> -> memref<1024xi32, #tpu.memory_space<vmem>>
    %dma_start3A_190 = tpu.memref_slice %arg3[%select_n3A_167, %select_n3A_183] : memref<50x16384xi32, #tpu.memory_space<hbm>> -> memref<1x1024xi32, #tpu.memory_space<hbm>>
    %dma_start3A_191 = tpu.memref_squeeze %dma_start3A_190 : memref<1x1024xi32, #tpu.memory_space<hbm>> -> memref<1024xi32, #tpu.memory_space<hbm>>
    tpu.enqueue_dma source(%dma_start3A_191 : memref<1024xi32, #tpu.memory_space<hbm>>) target(%dma_start3A_189 : memref<1024xi32, #tpu.memory_space<vmem>>) target_semaphore(%arg7 : memref<!tpu.dma_semaphore, #tpu.memory_space<semaphore_mem>>)
    %add3A_192 = arith.constant 4096 : i32
    %add3A_193 = arith.addi %mul3A_2, %add3A_192 : i32
    %jit3A_194 = arith.constant 16384 : i32
    %div3A_195 = arith.divsi %add3A_193, %jit3A_194 : i32
    %sign3A_196 = arith.constant 0 : i32
    %sign3A_197 = arith.cmpi sgt, %add3A_193, %sign3A_196 : i32
    %sign3A_198 = arith.extui %sign3A_197 : i1 to i32
    %sign3A_199 = arith.constant 0 : i32
    %sign3A_200 = arith.cmpi slt, %add3A_193, %sign3A_199 : i32
    %sign3A_201 = arith.extui %sign3A_200 : i1 to i32
    %sign3A_202 = arith.subi %sign3A_198, %sign3A_201 : i32
    %sign3A_203 = arith.constant 0 : i32
    %sign3A_204 = arith.cmpi sgt, %jit3A_194, %sign3A_203 : i32
    %sign3A_205 = arith.extui %sign3A_204 : i1 to i32
    %sign3A_206 = arith.constant 0 : i32
    %sign3A_207 = arith.cmpi slt, %jit3A_194, %sign3A_206 : i32
    %sign3A_208 = arith.extui %sign3A_207 : i1 to i32
    %sign3A_209 = arith.subi %sign3A_205, %sign3A_208 : i32
    %ne3A_210 = arith.cmpi ne, %sign3A_202, %sign3A_209 : i32
    %rem3A_211 = arith.remsi %add3A_193, %jit3A_194 : i32
    %ne3A_212 = arith.constant 0 : i32
    %ne3A_213 = arith.cmpi ne, %rem3A_211, %ne3A_212 : i32
    %and3A_214 = arith.andi %ne3A_210, %ne3A_213 : i1
    %sub3A_215 = arith.constant 1 : i32
    %sub3A_216 = arith.subi %div3A_195, %sub3A_215 : i32
    %select_n3A_217 = arith.select %and3A_214, %sub3A_216, %div3A_195 : i32
    %jit3A_218 = arith.constant 16384 : i32
    %eq3A_219 = arith.constant 0 : i32
    %eq3A_220 = arith.cmpi eq, %jit3A_218, %eq3A_219 : i32
    %jit3A_221 = arith.constant 1 : i32
    %select_n3A_222 = arith.select %eq3A_220, %jit3A_221, %jit3A_218 : i32
    %rem3A_223 = arith.remsi %add3A_193, %select_n3A_222 : i32
    %ne3A_224 = arith.constant 0 : i32
    %ne3A_225 = arith.cmpi ne, %rem3A_223, %ne3A_224 : i32
    %lt3A_226 = arith.constant 0 : i32
    %lt3A_227 = arith.cmpi slt, %rem3A_223, %lt3A_226 : i32
    %lt3A_228 = arith.constant 0 : i32
    %lt3A_229 = arith.cmpi slt, %select_n3A_222, %lt3A_228 : i32
    %ne3A_230 = arith.xori %lt3A_227, %lt3A_229 : i1
    %and3A_231 = arith.andi %ne3A_230, %ne3A_225 : i1
    %add3A_232 = arith.addi %rem3A_223, %select_n3A_222 : i32
    %select_n3A_233 = arith.select %and3A_231, %add3A_232, %rem3A_223 : i32
    %dma_start3A_234 = arith.constant 4096 : i32
    %dma_start3A_235 = tpu.memref_slice %arg5[%dma_start3A_234] : memref<25600xi32, #tpu.memory_space<vmem>> -> memref<1024xi32, #tpu.memory_space<vmem>>
    %dma_start3A_236 = tpu.memref_slice %arg3[%select_n3A_217, %select_n3A_233] : memref<50x16384xi32, #tpu.memory_space<hbm>> -> memref<1x1024xi32, #tpu.memory_space<hbm>>
    %dma_start3A_237 = tpu.memref_squeeze %dma_start3A_236 : memref<1x1024xi32, #tpu.memory_space<hbm>> -> memref<1024xi32, #tpu.memory_space<hbm>>
    %dma_start3A_238 = arith.constant 4096 : i32
    %dma_start3A_239 = tpu.memref_slice %arg5[%dma_start3A_238] : memref<25600xi32, #tpu.memory_space<vmem>> -> memref<1024xi32, #tpu.memory_space<vmem>>
    %dma_start3A_240 = tpu.memref_slice %arg3[%select_n3A_217, %select_n3A_233] : memref<50x16384xi32, #tpu.memory_space<hbm>> -> memref<1x1024xi32, #tpu.memory_space<hbm>>
    %dma_start3A_241 = tpu.memref_squeeze %dma_start3A_240 : memref<1x1024xi32, #tpu.memory_space<hbm>> -> memref<1024xi32, #tpu.memory_space<hbm>>
    tpu.enqueue_dma source(%dma_start3A_241 : memref<1024xi32, #tpu.memory_space<hbm>>) target(%dma_start3A_239 : memref<1024xi32, #tpu.memory_space<vmem>>) target_semaphore(%arg7 : memref<!tpu.dma_semaphore, #tpu.memory_space<semaphore_mem>>)
    %add3A_242 = arith.constant 5120 : i32
    %add3A_243 = arith.addi %mul3A_2, %add3A_242 : i32
    %jit3A_244 = arith.constant 16384 : i32
    %div3A_245 = arith.divsi %add3A_243, %jit3A_244 : i32
    %sign3A_246 = arith.constant 0 : i32
    %sign3A_247 = arith.cmpi sgt, %add3A_243, %sign3A_246 : i32
    %sign3A_248 = arith.extui %sign3A_247 : i1 to i32
    %sign3A_249 = arith.constant 0 : i32
    %sign3A_250 = arith.cmpi slt, %add3A_243, %sign3A_249 : i32
    %sign3A_251 = arith.extui %sign3A_250 : i1 to i32
    %sign3A_252 = arith.subi %sign3A_248, %sign3A_251 : i32
    %sign3A_253 = arith.constant 0 : i32
    %sign3A_254 = arith.cmpi sgt, %jit3A_244, %sign3A_253 : i32
    %sign3A_255 = arith.extui %sign3A_254 : i1 to i32
    %sign3A_256 = arith.constant 0 : i32
    %sign3A_257 = arith.cmpi slt, %jit3A_244, %sign3A_256 : i32
    %sign3A_258 = arith.extui %sign3A_257 : i1 to i32
    %sign3A_259 = arith.subi %sign3A_255, %sign3A_258 : i32
    %ne3A_260 = arith.cmpi ne, %sign3A_252, %sign3A_259 : i32
    %rem3A_261 = arith.remsi %add3A_243, %jit3A_244 : i32
    %ne3A_262 = arith.constant 0 : i32
    %ne3A_263 = arith.cmpi ne, %rem3A_261, %ne3A_262 : i32
    %and3A_264 = arith.andi %ne3A_260, %ne3A_263 : i1
    %sub3A_265 = arith.constant 1 : i32
    %sub3A_266 = arith.subi %div3A_245, %sub3A_265 : i32
    %select_n3A_267 = arith.select %and3A_264, %sub3A_266, %div3A_245 : i32
    %jit3A_268 = arith.constant 16384 : i32
    %eq3A_269 = arith.constant 0 : i32
    %eq3A_270 = arith.cmpi eq, %jit3A_268, %eq3A_269 : i32
    %jit3A_271 = arith.constant 1 : i32
    %select_n3A_272 = arith.select %eq3A_270, %jit3A_271, %jit3A_268 : i32
    %rem3A_273 = arith.remsi %add3A_243, %select_n3A_272 : i32
    %ne3A_274 = arith.constant 0 : i32
    %ne3A_275 = arith.cmpi ne, %rem3A_273, %ne3A_274 : i32
    %lt3A_276 = arith.constant 0 : i32
    %lt3A_277 = arith.cmpi slt, %rem3A_273, %lt3A_276 : i32
    %lt3A_278 = arith.constant 0 : i32
    %lt3A_279 = arith.cmpi slt, %select_n3A_272, %lt3A_278 : i32
    %ne3A_280 = arith.xori %lt3A_277, %lt3A_279 : i1
    %and3A_281 = arith.andi %ne3A_280, %ne3A_275 : i1
    %add3A_282 = arith.addi %rem3A_273, %select_n3A_272 : i32
    %select_n3A_283 = arith.select %and3A_281, %add3A_282, %rem3A_273 : i32
    %dma_start3A_284 = arith.constant 5120 : i32
    %dma_start3A_285 = tpu.memref_slice %arg5[%dma_start3A_284] : memref<25600xi32, #tpu.memory_space<vmem>> -> memref<1024xi32, #tpu.memory_space<vmem>>
    %dma_start3A_286 = tpu.memref_slice %arg3[%select_n3A_267, %select_n3A_283] : memref<50x16384xi32, #tpu.memory_space<hbm>> -> memref<1x1024xi32, #tpu.memory_space<hbm>>
    %dma_start3A_287 = tpu.memref_squeeze %dma_start3A_286 : memref<1x1024xi32, #tpu.memory_space<hbm>> -> memref<1024xi32, #tpu.memory_space<hbm>>
    %dma_start3A_288 = arith.constant 5120 : i32
    %dma_start3A_289 = tpu.memref_slice %arg5[%dma_start3A_288] : memref<25600xi32, #tpu.memory_space<vmem>> -> memref<1024xi32, #tpu.memory_space<vmem>>
    %dma_start3A_290 = tpu.memref_slice %arg3[%select_n3A_267, %select_n3A_283] : memref<50x16384xi32, #tpu.memory_space<hbm>> -> memref<1x1024xi32, #tpu.memory_space<hbm>>
    %dma_start3A_291 = tpu.memref_squeeze %dma_start3A_290 : memref<1x1024xi32, #tpu.memory_space<hbm>> -> memref<1024xi32, #tpu.memory_space<hbm>>
    tpu.enqueue_dma source(%dma_start3A_291 : memref<1024xi32, #tpu.memory_space<hbm>>) target(%dma_start3A_289 : memref<1024xi32, #tpu.memory_space<vmem>>) target_semaphore(%arg7 : memref<!tpu.dma_semaphore, #tpu.memory_space<semaphore_mem>>)
    %add3A_292 = arith.constant 6144 : i32
    %add3A_293 = arith.addi %mul3A_2, %add3A_292 : i32
    %jit3A_294 = arith.constant 16384 : i32
    %div3A_295 = arith.divsi %add3A_293, %jit3A_294 : i32
    %sign3A_296 = arith.constant 0 : i32
    %sign3A_297 = arith.cmpi sgt, %add3A_293, %sign3A_296 : i32
    %sign3A_298 = arith.extui %sign3A_297 : i1 to i32
    %sign3A_299 = arith.constant 0 : i32
    %sign3A_300 = arith.cmpi slt, %add3A_293, %sign3A_299 : i32
    %sign3A_301 = arith.extui %sign3A_300 : i1 to i32
    %sign3A_302 = arith.subi %sign3A_298, %sign3A_301 : i32
    %sign3A_303 = arith.constant 0 : i32
    %sign3A_304 = arith.cmpi sgt, %jit3A_294, %sign3A_303 : i32
    %sign3A_305 = arith.extui %sign3A_304 : i1 to i32
    %sign3A_306 = arith.constant 0 : i32
    %sign3A_307 = arith.cmpi slt, %jit3A_294, %sign3A_306 : i32
    %sign3A_308 = arith.extui %sign3A_307 : i1 to i32
    %sign3A_309 = arith.subi %sign3A_305, %sign3A_308 : i32
    %ne3A_310 = arith.cmpi ne, %sign3A_302, %sign3A_309 : i32
    %rem3A_311 = arith.remsi %add3A_293, %jit3A_294 : i32
    %ne3A_312 = arith.constant 0 : i32
    %ne3A_313 = arith.cmpi ne, %rem3A_311, %ne3A_312 : i32
    %and3A_314 = arith.andi %ne3A_310, %ne3A_313 : i1
    %sub3A_315 = arith.constant 1 : i32
    %sub3A_316 = arith.subi %div3A_295, %sub3A_315 : i32
    %select_n3A_317 = arith.select %and3A_314, %sub3A_316, %div3A_295 : i32
    %jit3A_318 = arith.constant 16384 : i32
    %eq3A_319 = arith.constant 0 : i32
    %eq3A_320 = arith.cmpi eq, %jit3A_318, %eq3A_319 : i32
    %jit3A_321 = arith.constant 1 : i32
    %select_n3A_322 = arith.select %eq3A_320, %jit3A_321, %jit3A_318 : i32
    %rem3A_323 = arith.remsi %add3A_293, %select_n3A_322 : i32
    %ne3A_324 = arith.constant 0 : i32
    %ne3A_325 = arith.cmpi ne, %rem3A_323, %ne3A_324 : i32
    %lt3A_326 = arith.constant 0 : i32
    %lt3A_327 = arith.cmpi slt, %rem3A_323, %lt3A_326 : i32
    %lt3A_328 = arith.constant 0 : i32
    %lt3A_329 = arith.cmpi slt, %select_n3A_322, %lt3A_328 : i32
    %ne3A_330 = arith.xori %lt3A_327, %lt3A_329 : i1
    %and3A_331 = arith.andi %ne3A_330, %ne3A_325 : i1
    %add3A_332 = arith.addi %rem3A_323, %select_n3A_322 : i32
    %select_n3A_333 = arith.select %and3A_331, %add3A_332, %rem3A_323 : i32
    %dma_start3A_334 = arith.constant 6144 : i32
    %dma_start3A_335 = tpu.memref_slice %arg5[%dma_start3A_334] : memref<25600xi32, #tpu.memory_space<vmem>> -> memref<1024xi32, #tpu.memory_space<vmem>>
    %dma_start3A_336 = tpu.memref_slice %arg3[%select_n3A_317, %select_n3A_333] : memref<50x16384xi32, #tpu.memory_space<hbm>> -> memref<1x1024xi32, #tpu.memory_space<hbm>>
    %dma_start3A_337 = tpu.memref_squeeze %dma_start3A_336 : memref<1x1024xi32, #tpu.memory_space<hbm>> -> memref<1024xi32, #tpu.memory_space<hbm>>
    %dma_start3A_338 = arith.constant 6144 : i32
    %dma_start3A_339 = tpu.memref_slice %arg5[%dma_start3A_338] : memref<25600xi32, #tpu.memory_space<vmem>> -> memref<1024xi32, #tpu.memory_space<vmem>>
    %dma_start3A_340 = tpu.memref_slice %arg3[%select_n3A_317, %select_n3A_333] : memref<50x16384xi32, #tpu.memory_space<hbm>> -> memref<1x1024xi32, #tpu.memory_space<hbm>>
    %dma_start3A_341 = tpu.memref_squeeze %dma_start3A_340 : memref<1x1024xi32, #tpu.memory_space<hbm>> -> memref<1024xi32, #tpu.memory_space<hbm>>
    tpu.enqueue_dma source(%dma_start3A_341 : memref<1024xi32, #tpu.memory_space<hbm>>) target(%dma_start3A_339 : memref<1024xi32, #tpu.memory_space<vmem>>) target_semaphore(%arg7 : memref<!tpu.dma_semaphore, #tpu.memory_space<semaphore_mem>>)
    %add3A_342 = arith.constant 7168 : i32
    %add3A_343 = arith.addi %mul3A_2, %add3A_342 : i32
    %jit3A_344 = arith.constant 16384 : i32
    %div3A_345 = arith.divsi %add3A_343, %jit3A_344 : i32
    %sign3A_346 = arith.constant 0 : i32
    %sign3A_347 = arith.cmpi sgt, %add3A_343, %sign3A_346 : i32
    %sign3A_348 = arith.extui %sign3A_347 : i1 to i32
    %sign3A_349 = arith.constant 0 : i32
    %sign3A_350 = arith.cmpi slt, %add3A_343, %sign3A_349 : i32
    %sign3A_351 = arith.extui %sign3A_350 : i1 to i32
    %sign3A_352 = arith.subi %sign3A_348, %sign3A_351 : i32
    %sign3A_353 = arith.constant 0 : i32
    %sign3A_354 = arith.cmpi sgt, %jit3A_344, %sign3A_353 : i32
    %sign3A_355 = arith.extui %sign3A_354 : i1 to i32
    %sign3A_356 = arith.constant 0 : i32
    %sign3A_357 = arith.cmpi slt, %jit3A_344, %sign3A_356 : i32
    %sign3A_358 = arith.extui %sign3A_357 : i1 to i32
    %sign3A_359 = arith.subi %sign3A_355, %sign3A_358 : i32
    %ne3A_360 = arith.cmpi ne, %sign3A_352, %sign3A_359 : i32
    %rem3A_361 = arith.remsi %add3A_343, %jit3A_344 : i32
    %ne3A_362 = arith.constant 0 : i32
    %ne3A_363 = arith.cmpi ne, %rem3A_361, %ne3A_362 : i32
    %and3A_364 = arith.andi %ne3A_360, %ne3A_363 : i1
    %sub3A_365 = arith.constant 1 : i32
    %sub3A_366 = arith.subi %div3A_345, %sub3A_365 : i32
    %select_n3A_367 = arith.select %and3A_364, %sub3A_366, %div3A_345 : i32
    %jit3A_368 = arith.constant 16384 : i32
    %eq3A_369 = arith.constant 0 : i32
    %eq3A_370 = arith.cmpi eq, %jit3A_368, %eq3A_369 : i32
    %jit3A_371 = arith.constant 1 : i32
    %select_n3A_372 = arith.select %eq3A_370, %jit3A_371, %jit3A_368 : i32
    %rem3A_373 = arith.remsi %add3A_343, %select_n3A_372 : i32
    %ne3A_374 = arith.constant 0 : i32
    %ne3A_375 = arith.cmpi ne, %rem3A_373, %ne3A_374 : i32
    %lt3A_376 = arith.constant 0 : i32
    %lt3A_377 = arith.cmpi slt, %rem3A_373, %lt3A_376 : i32
    %lt3A_378 = arith.constant 0 : i32
    %lt3A_379 = arith.cmpi slt, %select_n3A_372, %lt3A_378 : i32
    %ne3A_380 = arith.xori %lt3A_377, %lt3A_379 : i1
    %and3A_381 = arith.andi %ne3A_380, %ne3A_375 : i1
    %add3A_382 = arith.addi %rem3A_373, %select_n3A_372 : i32
    %select_n3A_383 = arith.select %and3A_381, %add3A_382, %rem3A_373 : i32
    %dma_start3A_384 = arith.constant 7168 : i32
    %dma_start3A_385 = tpu.memref_slice %arg5[%dma_start3A_384] : memref<25600xi32, #tpu.memory_space<vmem>> -> memref<1024xi32, #tpu.memory_space<vmem>>
    %dma_start3A_386 = tpu.memref_slice %arg3[%select_n3A_367, %select_n3A_383] : memref<50x16384xi32, #tpu.memory_space<hbm>> -> memref<1x1024xi32, #tpu.memory_space<hbm>>
    %dma_start3A_387 = tpu.memref_squeeze %dma_start3A_386 : memref<1x1024xi32, #tpu.memory_space<hbm>> -> memref<1024xi32, #tpu.memory_space<hbm>>
    %dma_start3A_388 = arith.constant 7168 : i32
    %dma_start3A_389 = tpu.memref_slice %arg5[%dma_start3A_388] : memref<25600xi32, #tpu.memory_space<vmem>> -> memref<1024xi32, #tpu.memory_space<vmem>>
    %dma_start3A_390 = tpu.memref_slice %arg3[%select_n3A_367, %select_n3A_383] : memref<50x16384xi32, #tpu.memory_space<hbm>> -> memref<1x1024xi32, #tpu.memory_space<hbm>>
    %dma_start3A_391 = tpu.memref_squeeze %dma_start3A_390 : memref<1x1024xi32, #tpu.memory_space<hbm>> -> memref<1024xi32, #tpu.memory_space<hbm>>
    tpu.enqueue_dma source(%dma_start3A_391 : memref<1024xi32, #tpu.memory_space<hbm>>) target(%dma_start3A_389 : memref<1024xi32, #tpu.memory_space<vmem>>) target_semaphore(%arg7 : memref<!tpu.dma_semaphore, #tpu.memory_space<semaphore_mem>>)
    %add3A_392 = arith.constant 8192 : i32
    %add3A_393 = arith.addi %mul3A_2, %add3A_392 : i32
    %jit3A_394 = arith.constant 16384 : i32
    %div3A_395 = arith.divsi %add3A_393, %jit3A_394 : i32
    %sign3A_396 = arith.constant 0 : i32
    %sign3A_397 = arith.cmpi sgt, %add3A_393, %sign3A_396 : i32
    %sign3A_398 = arith.extui %sign3A_397 : i1 to i32
    %sign3A_399 = arith.constant 0 : i32
    %sign3A_400 = arith.cmpi slt, %add3A_393, %sign3A_399 : i32
    %sign3A_401 = arith.extui %sign3A_400 : i1 to i32
    %sign3A_402 = arith.subi %sign3A_398, %sign3A_401 : i32
    %sign3A_403 = arith.constant 0 : i32
    %sign3A_404 = arith.cmpi sgt, %jit3A_394, %sign3A_403 : i32
    %sign3A_405 = arith.extui %sign3A_404 : i1 to i32
    %sign3A_406 = arith.constant 0 : i32
    %sign3A_407 = arith.cmpi slt, %jit3A_394, %sign3A_406 : i32
    %sign3A_408 = arith.extui %sign3A_407 : i1 to i32
    %sign3A_409 = arith.subi %sign3A_405, %sign3A_408 : i32
    %ne3A_410 = arith.cmpi ne, %sign3A_402, %sign3A_409 : i32
    %rem3A_411 = arith.remsi %add3A_393, %jit3A_394 : i32
    %ne3A_412 = arith.constant 0 : i32
    %ne3A_413 = arith.cmpi ne, %rem3A_411, %ne3A_412 : i32
    %and3A_414 = arith.andi %ne3A_410, %ne3A_413 : i1
    %sub3A_415 = arith.constant 1 : i32
    %sub3A_416 = arith.subi %div3A_395, %sub3A_415 : i32
    %select_n3A_417 = arith.select %and3A_414, %sub3A_416, %div3A_395 : i32
    %jit3A_418 = arith.constant 16384 : i32
    %eq3A_419 = arith.constant 0 : i32
    %eq3A_420 = arith.cmpi eq, %jit3A_418, %eq3A_419 : i32
    %jit3A_421 = arith.constant 1 : i32
    %select_n3A_422 = arith.select %eq3A_420, %jit3A_421, %jit3A_418 : i32
    %rem3A_423 = arith.remsi %add3A_393, %select_n3A_422 : i32
    %ne3A_424 = arith.constant 0 : i32
    %ne3A_425 = arith.cmpi ne, %rem3A_423, %ne3A_424 : i32
    %lt3A_426 = arith.constant 0 : i32
    %lt3A_427 = arith.cmpi slt, %rem3A_423, %lt3A_426 : i32
    %lt3A_428 = arith.constant 0 : i32
    %lt3A_429 = arith.cmpi slt, %select_n3A_422, %lt3A_428 : i32
    %ne3A_430 = arith.xori %lt3A_427, %lt3A_429 : i1
    %and3A_431 = arith.andi %ne3A_430, %ne3A_425 : i1
    %add3A_432 = arith.addi %rem3A_423, %select_n3A_422 : i32
    %select_n3A_433 = arith.select %and3A_431, %add3A_432, %rem3A_423 : i32
    %dma_start3A_434 = arith.constant 8192 : i32
    %dma_start3A_435 = tpu.memref_slice %arg5[%dma_start3A_434] : memref<25600xi32, #tpu.memory_space<vmem>> -> memref<1024xi32, #tpu.memory_space<vmem>>
    %dma_start3A_436 = tpu.memref_slice %arg3[%select_n3A_417, %select_n3A_433] : memref<50x16384xi32, #tpu.memory_space<hbm>> -> memref<1x1024xi32, #tpu.memory_space<hbm>>
    %dma_start3A_437 = tpu.memref_squeeze %dma_start3A_436 : memref<1x1024xi32, #tpu.memory_space<hbm>> -> memref<1024xi32, #tpu.memory_space<hbm>>
    %dma_start3A_438 = arith.constant 8192 : i32
    %dma_start3A_439 = tpu.memref_slice %arg5[%dma_start3A_438] : memref<25600xi32, #tpu.memory_space<vmem>> -> memref<1024xi32, #tpu.memory_space<vmem>>
    %dma_start3A_440 = tpu.memref_slice %arg3[%select_n3A_417, %select_n3A_433] : memref<50x16384xi32, #tpu.memory_space<hbm>> -> memref<1x1024xi32, #tpu.memory_space<hbm>>
    %dma_start3A_441 = tpu.memref_squeeze %dma_start3A_440 : memref<1x1024xi32, #tpu.memory_space<hbm>> -> memref<1024xi32, #tpu.memory_space<hbm>>
    tpu.enqueue_dma source(%dma_start3A_441 : memref<1024xi32, #tpu.memory_space<hbm>>) target(%dma_start3A_439 : memref<1024xi32, #tpu.memory_space<vmem>>) target_semaphore(%arg7 : memref<!tpu.dma_semaphore, #tpu.memory_space<semaphore_mem>>)
    %add3A_442 = arith.constant 9216 : i32
    %add3A_443 = arith.addi %mul3A_2, %add3A_442 : i32
    %jit3A_444 = arith.constant 16384 : i32
    %div3A_445 = arith.divsi %add3A_443, %jit3A_444 : i32
    %sign3A_446 = arith.constant 0 : i32
    %sign3A_447 = arith.cmpi sgt, %add3A_443, %sign3A_446 : i32
    %sign3A_448 = arith.extui %sign3A_447 : i1 to i32
    %sign3A_449 = arith.constant 0 : i32
    %sign3A_450 = arith.cmpi slt, %add3A_443, %sign3A_449 : i32
    %sign3A_451 = arith.extui %sign3A_450 : i1 to i32
    %sign3A_452 = arith.subi %sign3A_448, %sign3A_451 : i32
    %sign3A_453 = arith.constant 0 : i32
    %sign3A_454 = arith.cmpi sgt, %jit3A_444, %sign3A_453 : i32
    %sign3A_455 = arith.extui %sign3A_454 : i1 to i32
    %sign3A_456 = arith.constant 0 : i32
    %sign3A_457 = arith.cmpi slt, %jit3A_444, %sign3A_456 : i32
    %sign3A_458 = arith.extui %sign3A_457 : i1 to i32
    %sign3A_459 = arith.subi %sign3A_455, %sign3A_458 : i32
    %ne3A_460 = arith.cmpi ne, %sign3A_452, %sign3A_459 : i32
    %rem3A_461 = arith.remsi %add3A_443, %jit3A_444 : i32
    %ne3A_462 = arith.constant 0 : i32
    %ne3A_463 = arith.cmpi ne, %rem3A_461, %ne3A_462 : i32
    %and3A_464 = arith.andi %ne3A_460, %ne3A_463 : i1
    %sub3A_465 = arith.constant 1 : i32
    %sub3A_466 = arith.subi %div3A_445, %sub3A_465 : i32
    %select_n3A_467 = arith.select %and3A_464, %sub3A_466, %div3A_445 : i32
    %jit3A_468 = arith.constant 16384 : i32
    %eq3A_469 = arith.constant 0 : i32
    %eq3A_470 = arith.cmpi eq, %jit3A_468, %eq3A_469 : i32
    %jit3A_471 = arith.constant 1 : i32
    %select_n3A_472 = arith.select %eq3A_470, %jit3A_471, %jit3A_468 : i32
    %rem3A_473 = arith.remsi %add3A_443, %select_n3A_472 : i32
    %ne3A_474 = arith.constant 0 : i32
    %ne3A_475 = arith.cmpi ne, %rem3A_473, %ne3A_474 : i32
    %lt3A_476 = arith.constant 0 : i32
    %lt3A_477 = arith.cmpi slt, %rem3A_473, %lt3A_476 : i32
    %lt3A_478 = arith.constant 0 : i32
    %lt3A_479 = arith.cmpi slt, %select_n3A_472, %lt3A_478 : i32
    %ne3A_480 = arith.xori %lt3A_477, %lt3A_479 : i1
    %and3A_481 = arith.andi %ne3A_480, %ne3A_475 : i1
    %add3A_482 = arith.addi %rem3A_473, %select_n3A_472 : i32
    %select_n3A_483 = arith.select %and3A_481, %add3A_482, %rem3A_473 : i32
    %dma_start3A_484 = arith.constant 9216 : i32
    %dma_start3A_485 = tpu.memref_slice %arg5[%dma_start3A_484] : memref<25600xi32, #tpu.memory_space<vmem>> -> memref<1024xi32, #tpu.memory_space<vmem>>
    %dma_start3A_486 = tpu.memref_slice %arg3[%select_n3A_467, %select_n3A_483] : memref<50x16384xi32, #tpu.memory_space<hbm>> -> memref<1x1024xi32, #tpu.memory_space<hbm>>
    %dma_start3A_487 = tpu.memref_squeeze %dma_start3A_486 : memref<1x1024xi32, #tpu.memory_space<hbm>> -> memref<1024xi32, #tpu.memory_space<hbm>>
    %dma_start3A_488 = arith.constant 9216 : i32
    %dma_start3A_489 = tpu.memref_slice %arg5[%dma_start3A_488] : memref<25600xi32, #tpu.memory_space<vmem>> -> memref<1024xi32, #tpu.memory_space<vmem>>
    %dma_start3A_490 = tpu.memref_slice %arg3[%select_n3A_467, %select_n3A_483] : memref<50x16384xi32, #tpu.memory_space<hbm>> -> memref<1x1024xi32, #tpu.memory_space<hbm>>
    %dma_start3A_491 = tpu.memref_squeeze %dma_start3A_490 : memref<1x1024xi32, #tpu.memory_space<hbm>> -> memref<1024xi32, #tpu.memory_space<hbm>>
    tpu.enqueue_dma source(%dma_start3A_491 : memref<1024xi32, #tpu.memory_space<hbm>>) target(%dma_start3A_489 : memref<1024xi32, #tpu.memory_space<vmem>>) target_semaphore(%arg7 : memref<!tpu.dma_semaphore, #tpu.memory_space<semaphore_mem>>)
    %add3A_492 = arith.constant 10240 : i32
    %add3A_493 = arith.addi %mul3A_2, %add3A_492 : i32
    %jit3A_494 = arith.constant 16384 : i32
    %div3A_495 = arith.divsi %add3A_493, %jit3A_494 : i32
    %sign3A_496 = arith.constant 0 : i32
    %sign3A_497 = arith.cmpi sgt, %add3A_493, %sign3A_496 : i32
    %sign3A_498 = arith.extui %sign3A_497 : i1 to i32
    %sign3A_499 = arith.constant 0 : i32
    %sign3A_500 = arith.cmpi slt, %add3A_493, %sign3A_499 : i32
    %sign3A_501 = arith.extui %sign3A_500 : i1 to i32
    %sign3A_502 = arith.subi %sign3A_498, %sign3A_501 : i32
    %sign3A_503 = arith.constant 0 : i32
    %sign3A_504 = arith.cmpi sgt, %jit3A_494, %sign3A_503 : i32
    %sign3A_505 = arith.extui %sign3A_504 : i1 to i32
    %sign3A_506 = arith.constant 0 : i32
    %sign3A_507 = arith.cmpi slt, %jit3A_494, %sign3A_506 : i32
    %sign3A_508 = arith.extui %sign3A_507 : i1 to i32
    %sign3A_509 = arith.subi %sign3A_505, %sign3A_508 : i32
    %ne3A_510 = arith.cmpi ne, %sign3A_502, %sign3A_509 : i32
    %rem3A_511 = arith.remsi %add3A_493, %jit3A_494 : i32
    %ne3A_512 = arith.constant 0 : i32
    %ne3A_513 = arith.cmpi ne, %rem3A_511, %ne3A_512 : i32
    %and3A_514 = arith.andi %ne3A_510, %ne3A_513 : i1
    %sub3A_515 = arith.constant 1 : i32
    %sub3A_516 = arith.subi %div3A_495, %sub3A_515 : i32
    %select_n3A_517 = arith.select %and3A_514, %sub3A_516, %div3A_495 : i32
    %jit3A_518 = arith.constant 16384 : i32
    %eq3A_519 = arith.constant 0 : i32
    %eq3A_520 = arith.cmpi eq, %jit3A_518, %eq3A_519 : i32
    %jit3A_521 = arith.constant 1 : i32
    %select_n3A_522 = arith.select %eq3A_520, %jit3A_521, %jit3A_518 : i32
    %rem3A_523 = arith.remsi %add3A_493, %select_n3A_522 : i32
    %ne3A_524 = arith.constant 0 : i32
    %ne3A_525 = arith.cmpi ne, %rem3A_523, %ne3A_524 : i32
    %lt3A_526 = arith.constant 0 : i32
    %lt3A_527 = arith.cmpi slt, %rem3A_523, %lt3A_526 : i32
    %lt3A_528 = arith.constant 0 : i32
    %lt3A_529 = arith.cmpi slt, %select_n3A_522, %lt3A_528 : i32
    %ne3A_530 = arith.xori %lt3A_527, %lt3A_529 : i1
    %and3A_531 = arith.andi %ne3A_530, %ne3A_525 : i1
    %add3A_532 = arith.addi %rem3A_523, %select_n3A_522 : i32
    %select_n3A_533 = arith.select %and3A_531, %add3A_532, %rem3A_523 : i32
    %dma_start3A_534 = arith.constant 10240 : i32
    %dma_start3A_535 = tpu.memref_slice %arg5[%dma_start3A_534] : memref<25600xi32, #tpu.memory_space<vmem>> -> memref<1024xi32, #tpu.memory_space<vmem>>
    %dma_start3A_536 = tpu.memref_slice %arg3[%select_n3A_517, %select_n3A_533] : memref<50x16384xi32, #tpu.memory_space<hbm>> -> memref<1x1024xi32, #tpu.memory_space<hbm>>
    %dma_start3A_537 = tpu.memref_squeeze %dma_start3A_536 : memref<1x1024xi32, #tpu.memory_space<hbm>> -> memref<1024xi32, #tpu.memory_space<hbm>>
    %dma_start3A_538 = arith.constant 10240 : i32
    %dma_start3A_539 = tpu.memref_slice %arg5[%dma_start3A_538] : memref<25600xi32, #tpu.memory_space<vmem>> -> memref<1024xi32, #tpu.memory_space<vmem>>
    %dma_start3A_540 = tpu.memref_slice %arg3[%select_n3A_517, %select_n3A_533] : memref<50x16384xi32, #tpu.memory_space<hbm>> -> memref<1x1024xi32, #tpu.memory_space<hbm>>
    %dma_start3A_541 = tpu.memref_squeeze %dma_start3A_540 : memref<1x1024xi32, #tpu.memory_space<hbm>> -> memref<1024xi32, #tpu.memory_space<hbm>>
    tpu.enqueue_dma source(%dma_start3A_541 : memref<1024xi32, #tpu.memory_space<hbm>>) target(%dma_start3A_539 : memref<1024xi32, #tpu.memory_space<vmem>>) target_semaphore(%arg7 : memref<!tpu.dma_semaphore, #tpu.memory_space<semaphore_mem>>)
    %add3A_542 = arith.constant 11264 : i32
    %add3A_543 = arith.addi %mul3A_2, %add3A_542 : i32
    %jit3A_544 = arith.constant 16384 : i32
    %div3A_545 = arith.divsi %add3A_543, %jit3A_544 : i32
    %sign3A_546 = arith.constant 0 : i32
    %sign3A_547 = arith.cmpi sgt, %add3A_543, %sign3A_546 : i32
    %sign3A_548 = arith.extui %sign3A_547 : i1 to i32
    %sign3A_549 = arith.constant 0 : i32
    %sign3A_550 = arith.cmpi slt, %add3A_543, %sign3A_549 : i32
    %sign3A_551 = arith.extui %sign3A_550 : i1 to i32
    %sign3A_552 = arith.subi %sign3A_548, %sign3A_551 : i32
    %sign3A_553 = arith.constant 0 : i32
    %sign3A_554 = arith.cmpi sgt, %jit3A_544, %sign3A_553 : i32
    %sign3A_555 = arith.extui %sign3A_554 : i1 to i32
    %sign3A_556 = arith.constant 0 : i32
    %sign3A_557 = arith.cmpi slt, %jit3A_544, %sign3A_556 : i32
    %sign3A_558 = arith.extui %sign3A_557 : i1 to i32
    %sign3A_559 = arith.subi %sign3A_555, %sign3A_558 : i32
    %ne3A_560 = arith.cmpi ne, %sign3A_552, %sign3A_559 : i32
    %rem3A_561 = arith.remsi %add3A_543, %jit3A_544 : i32
    %ne3A_562 = arith.constant 0 : i32
    %ne3A_563 = arith.cmpi ne, %rem3A_561, %ne3A_562 : i32
    %and3A_564 = arith.andi %ne3A_560, %ne3A_563 : i1
    %sub3A_565 = arith.constant 1 : i32
    %sub3A_566 = arith.subi %div3A_545, %sub3A_565 : i32
    %select_n3A_567 = arith.select %and3A_564, %sub3A_566, %div3A_545 : i32
    %jit3A_568 = arith.constant 16384 : i32
    %eq3A_569 = arith.constant 0 : i32
    %eq3A_570 = arith.cmpi eq, %jit3A_568, %eq3A_569 : i32
    %jit3A_571 = arith.constant 1 : i32
    %select_n3A_572 = arith.select %eq3A_570, %jit3A_571, %jit3A_568 : i32
    %rem3A_573 = arith.remsi %add3A_543, %select_n3A_572 : i32
    %ne3A_574 = arith.constant 0 : i32
    %ne3A_575 = arith.cmpi ne, %rem3A_573, %ne3A_574 : i32
    %lt3A_576 = arith.constant 0 : i32
    %lt3A_577 = arith.cmpi slt, %rem3A_573, %lt3A_576 : i32
    %lt3A_578 = arith.constant 0 : i32
    %lt3A_579 = arith.cmpi slt, %select_n3A_572, %lt3A_578 : i32
    %ne3A_580 = arith.xori %lt3A_577, %lt3A_579 : i1
    %and3A_581 = arith.andi %ne3A_580, %ne3A_575 : i1
    %add3A_582 = arith.addi %rem3A_573, %select_n3A_572 : i32
    %select_n3A_583 = arith.select %and3A_581, %add3A_582, %rem3A_573 : i32
    %dma_start3A_584 = arith.constant 11264 : i32
    %dma_start3A_585 = tpu.memref_slice %arg5[%dma_start3A_584] : memref<25600xi32, #tpu.memory_space<vmem>> -> memref<1024xi32, #tpu.memory_space<vmem>>
    %dma_start3A_586 = tpu.memref_slice %arg3[%select_n3A_567, %select_n3A_583] : memref<50x16384xi32, #tpu.memory_space<hbm>> -> memref<1x1024xi32, #tpu.memory_space<hbm>>
    %dma_start3A_587 = tpu.memref_squeeze %dma_start3A_586 : memref<1x1024xi32, #tpu.memory_space<hbm>> -> memref<1024xi32, #tpu.memory_space<hbm>>
    %dma_start3A_588 = arith.constant 11264 : i32
    %dma_start3A_589 = tpu.memref_slice %arg5[%dma_start3A_588] : memref<25600xi32, #tpu.memory_space<vmem>> -> memref<1024xi32, #tpu.memory_space<vmem>>
    %dma_start3A_590 = tpu.memref_slice %arg3[%select_n3A_567, %select_n3A_583] : memref<50x16384xi32, #tpu.memory_space<hbm>> -> memref<1x1024xi32, #tpu.memory_space<hbm>>
    %dma_start3A_591 = tpu.memref_squeeze %dma_start3A_590 : memref<1x1024xi32, #tpu.memory_space<hbm>> -> memref<1024xi32, #tpu.memory_space<hbm>>
    tpu.enqueue_dma source(%dma_start3A_591 : memref<1024xi32, #tpu.memory_space<hbm>>) target(%dma_start3A_589 : memref<1024xi32, #tpu.memory_space<vmem>>) target_semaphore(%arg7 : memref<!tpu.dma_semaphore, #tpu.memory_space<semaphore_mem>>)
    %add3A_592 = arith.constant 12288 : i32
    %add3A_593 = arith.addi %mul3A_2, %add3A_592 : i32
    %jit3A_594 = arith.constant 16384 : i32
    %div3A_595 = arith.divsi %add3A_593, %jit3A_594 : i32
    %sign3A_596 = arith.constant 0 : i32
    %sign3A_597 = arith.cmpi sgt, %add3A_593, %sign3A_596 : i32
    %sign3A_598 = arith.extui %sign3A_597 : i1 to i32
    %sign3A_599 = arith.constant 0 : i32
    %sign3A_600 = arith.cmpi slt, %add3A_593, %sign3A_599 : i32
    %sign3A_601 = arith.extui %sign3A_600 : i1 to i32
    %sign3A_602 = arith.subi %sign3A_598, %sign3A_601 : i32
    %sign3A_603 = arith.constant 0 : i32
    %sign3A_604 = arith.cmpi sgt, %jit3A_594, %sign3A_603 : i32
    %sign3A_605 = arith.extui %sign3A_604 : i1 to i32
    %sign3A_606 = arith.constant 0 : i32
    %sign3A_607 = arith.cmpi slt, %jit3A_594, %sign3A_606 : i32
    %sign3A_608 = arith.extui %sign3A_607 : i1 to i32
    %sign3A_609 = arith.subi %sign3A_605, %sign3A_608 : i32
    %ne3A_610 = arith.cmpi ne, %sign3A_602, %sign3A_609 : i32
    %rem3A_611 = arith.remsi %add3A_593, %jit3A_594 : i32
    %ne3A_612 = arith.constant 0 : i32
    %ne3A_613 = arith.cmpi ne, %rem3A_611, %ne3A_612 : i32
    %and3A_614 = arith.andi %ne3A_610, %ne3A_613 : i1
    %sub3A_615 = arith.constant 1 : i32
    %sub3A_616 = arith.subi %div3A_595, %sub3A_615 : i32
    %select_n3A_617 = arith.select %and3A_614, %sub3A_616, %div3A_595 : i32
    %jit3A_618 = arith.constant 16384 : i32
    %eq3A_619 = arith.constant 0 : i32
    %eq3A_620 = arith.cmpi eq, %jit3A_618, %eq3A_619 : i32
    %jit3A_621 = arith.constant 1 : i32
    %select_n3A_622 = arith.select %eq3A_620, %jit3A_621, %jit3A_618 : i32
    %rem3A_623 = arith.remsi %add3A_593, %select_n3A_622 : i32
    %ne3A_624 = arith.constant 0 : i32
    %ne3A_625 = arith.cmpi ne, %rem3A_623, %ne3A_624 : i32
    %lt3A_626 = arith.constant 0 : i32
    %lt3A_627 = arith.cmpi slt, %rem3A_623, %lt3A_626 : i32
    %lt3A_628 = arith.constant 0 : i32
    %lt3A_629 = arith.cmpi slt, %select_n3A_622, %lt3A_628 : i32
    %ne3A_630 = arith.xori %lt3A_627, %lt3A_629 : i1
    %and3A_631 = arith.andi %ne3A_630, %ne3A_625 : i1
    %add3A_632 = arith.addi %rem3A_623, %select_n3A_622 : i32
    %select_n3A_633 = arith.select %and3A_631, %add3A_632, %rem3A_623 : i32
    %dma_start3A_634 = arith.constant 12288 : i32
    %dma_start3A_635 = tpu.memref_slice %arg5[%dma_start3A_634] : memref<25600xi32, #tpu.memory_space<vmem>> -> memref<1024xi32, #tpu.memory_space<vmem>>
    %dma_start3A_636 = tpu.memref_slice %arg3[%select_n3A_617, %select_n3A_633] : memref<50x16384xi32, #tpu.memory_space<hbm>> -> memref<1x1024xi32, #tpu.memory_space<hbm>>
    %dma_start3A_637 = tpu.memref_squeeze %dma_start3A_636 : memref<1x1024xi32, #tpu.memory_space<hbm>> -> memref<1024xi32, #tpu.memory_space<hbm>>
    %dma_start3A_638 = arith.constant 12288 : i32
    %dma_start3A_639 = tpu.memref_slice %arg5[%dma_start3A_638] : memref<25600xi32, #tpu.memory_space<vmem>> -> memref<1024xi32, #tpu.memory_space<vmem>>
    %dma_start3A_640 = tpu.memref_slice %arg3[%select_n3A_617, %select_n3A_633] : memref<50x16384xi32, #tpu.memory_space<hbm>> -> memref<1x1024xi32, #tpu.memory_space<hbm>>
    %dma_start3A_641 = tpu.memref_squeeze %dma_start3A_640 : memref<1x1024xi32, #tpu.memory_space<hbm>> -> memref<1024xi32, #tpu.memory_space<hbm>>
    tpu.enqueue_dma source(%dma_start3A_641 : memref<1024xi32, #tpu.memory_space<hbm>>) target(%dma_start3A_639 : memref<1024xi32, #tpu.memory_space<vmem>>) target_semaphore(%arg7 : memref<!tpu.dma_semaphore, #tpu.memory_space<semaphore_mem>>)
    %add3A_642 = arith.constant 13312 : i32
    %add3A_643 = arith.addi %mul3A_2, %add3A_642 : i32
    %jit3A_644 = arith.constant 16384 : i32
    %div3A_645 = arith.divsi %add3A_643, %jit3A_644 : i32
    %sign3A_646 = arith.constant 0 : i32
    %sign3A_647 = arith.cmpi sgt, %add3A_643, %sign3A_646 : i32
    %sign3A_648 = arith.extui %sign3A_647 : i1 to i32
    %sign3A_649 = arith.constant 0 : i32
    %sign3A_650 = arith.cmpi slt, %add3A_643, %sign3A_649 : i32
    %sign3A_651 = arith.extui %sign3A_650 : i1 to i32
    %sign3A_652 = arith.subi %sign3A_648, %sign3A_651 : i32
    %sign3A_653 = arith.constant 0 : i32
    %sign3A_654 = arith.cmpi sgt, %jit3A_644, %sign3A_653 : i32
    %sign3A_655 = arith.extui %sign3A_654 : i1 to i32
    %sign3A_656 = arith.constant 0 : i32
    %sign3A_657 = arith.cmpi slt, %jit3A_644, %sign3A_656 : i32
    %sign3A_658 = arith.extui %sign3A_657 : i1 to i32
    %sign3A_659 = arith.subi %sign3A_655, %sign3A_658 : i32
    %ne3A_660 = arith.cmpi ne, %sign3A_652, %sign3A_659 : i32
    %rem3A_661 = arith.remsi %add3A_643, %jit3A_644 : i32
    %ne3A_662 = arith.constant 0 : i32
    %ne3A_663 = arith.cmpi ne, %rem3A_661, %ne3A_662 : i32
    %and3A_664 = arith.andi %ne3A_660, %ne3A_663 : i1
    %sub3A_665 = arith.constant 1 : i32
    %sub3A_666 = arith.subi %div3A_645, %sub3A_665 : i32
    %select_n3A_667 = arith.select %and3A_664, %sub3A_666, %div3A_645 : i32
    %jit3A_668 = arith.constant 16384 : i32
    %eq3A_669 = arith.constant 0 : i32
    %eq3A_670 = arith.cmpi eq, %jit3A_668, %eq3A_669 : i32
    %jit3A_671 = arith.constant 1 : i32
    %select_n3A_672 = arith.select %eq3A_670, %jit3A_671, %jit3A_668 : i32
    %rem3A_673 = arith.remsi %add3A_643, %select_n3A_672 : i32
    %ne3A_674 = arith.constant 0 : i32
    %ne3A_675 = arith.cmpi ne, %rem3A_673, %ne3A_674 : i32
    %lt3A_676 = arith.constant 0 : i32
    %lt3A_677 = arith.cmpi slt, %rem3A_673, %lt3A_676 : i32
    %lt3A_678 = arith.constant 0 : i32
    %lt3A_679 = arith.cmpi slt, %select_n3A_672, %lt3A_678 : i32
    %ne3A_680 = arith.xori %lt3A_677, %lt3A_679 : i1
    %and3A_681 = arith.andi %ne3A_680, %ne3A_675 : i1
    %add3A_682 = arith.addi %rem3A_673, %select_n3A_672 : i32
    %select_n3A_683 = arith.select %and3A_681, %add3A_682, %rem3A_673 : i32
    %dma_start3A_684 = arith.constant 13312 : i32
    %dma_start3A_685 = tpu.memref_slice %arg5[%dma_start3A_684] : memref<25600xi32, #tpu.memory_space<vmem>> -> memref<1024xi32, #tpu.memory_space<vmem>>
    %dma_start3A_686 = tpu.memref_slice %arg3[%select_n3A_667, %select_n3A_683] : memref<50x16384xi32, #tpu.memory_space<hbm>> -> memref<1x1024xi32, #tpu.memory_space<hbm>>
    %dma_start3A_687 = tpu.memref_squeeze %dma_start3A_686 : memref<1x1024xi32, #tpu.memory_space<hbm>> -> memref<1024xi32, #tpu.memory_space<hbm>>
    %dma_start3A_688 = arith.constant 13312 : i32
    %dma_start3A_689 = tpu.memref_slice %arg5[%dma_start3A_688] : memref<25600xi32, #tpu.memory_space<vmem>> -> memref<1024xi32, #tpu.memory_space<vmem>>
    %dma_start3A_690 = tpu.memref_slice %arg3[%select_n3A_667, %select_n3A_683] : memref<50x16384xi32, #tpu.memory_space<hbm>> -> memref<1x1024xi32, #tpu.memory_space<hbm>>
    %dma_start3A_691 = tpu.memref_squeeze %dma_start3A_690 : memref<1x1024xi32, #tpu.memory_space<hbm>> -> memref<1024xi32, #tpu.memory_space<hbm>>
    tpu.enqueue_dma source(%dma_start3A_691 : memref<1024xi32, #tpu.memory_space<hbm>>) target(%dma_start3A_689 : memref<1024xi32, #tpu.memory_space<vmem>>) target_semaphore(%arg7 : memref<!tpu.dma_semaphore, #tpu.memory_space<semaphore_mem>>)
    %add3A_692 = arith.constant 14336 : i32
    %add3A_693 = arith.addi %mul3A_2, %add3A_692 : i32
    %jit3A_694 = arith.constant 16384 : i32
    %div3A_695 = arith.divsi %add3A_693, %jit3A_694 : i32
    %sign3A_696 = arith.constant 0 : i32
    %sign3A_697 = arith.cmpi sgt, %add3A_693, %sign3A_696 : i32
    %sign3A_698 = arith.extui %sign3A_697 : i1 to i32
    %sign3A_699 = arith.constant 0 : i32
    %sign3A_700 = arith.cmpi slt, %add3A_693, %sign3A_699 : i32
    %sign3A_701 = arith.extui %sign3A_700 : i1 to i32
    %sign3A_702 = arith.subi %sign3A_698, %sign3A_701 : i32
    %sign3A_703 = arith.constant 0 : i32
    %sign3A_704 = arith.cmpi sgt, %jit3A_694, %sign3A_703 : i32
    %sign3A_705 = arith.extui %sign3A_704 : i1 to i32
    %sign3A_706 = arith.constant 0 : i32
    %sign3A_707 = arith.cmpi slt, %jit3A_694, %sign3A_706 : i32
    %sign3A_708 = arith.extui %sign3A_707 : i1 to i32
    %sign3A_709 = arith.subi %sign3A_705, %sign3A_708 : i32
    %ne3A_710 = arith.cmpi ne, %sign3A_702, %sign3A_709 : i32
    %rem3A_711 = arith.remsi %add3A_693, %jit3A_694 : i32
    %ne3A_712 = arith.constant 0 : i32
    %ne3A_713 = arith.cmpi ne, %rem3A_711, %ne3A_712 : i32
    %and3A_714 = arith.andi %ne3A_710, %ne3A_713 : i1
    %sub3A_715 = arith.constant 1 : i32
    %sub3A_716 = arith.subi %div3A_695, %sub3A_715 : i32
    %select_n3A_717 = arith.select %and3A_714, %sub3A_716, %div3A_695 : i32
    %jit3A_718 = arith.constant 16384 : i32
    %eq3A_719 = arith.constant 0 : i32
    %eq3A_720 = arith.cmpi eq, %jit3A_718, %eq3A_719 : i32
    %jit3A_721 = arith.constant 1 : i32
    %select_n3A_722 = arith.select %eq3A_720, %jit3A_721, %jit3A_718 : i32
    %rem3A_723 = arith.remsi %add3A_693, %select_n3A_722 : i32
    %ne3A_724 = arith.constant 0 : i32
    %ne3A_725 = arith.cmpi ne, %rem3A_723, %ne3A_724 : i32
    %lt3A_726 = arith.constant 0 : i32
    %lt3A_727 = arith.cmpi slt, %rem3A_723, %lt3A_726 : i32
    %lt3A_728 = arith.constant 0 : i32
    %lt3A_729 = arith.cmpi slt, %select_n3A_722, %lt3A_728 : i32
    %ne3A_730 = arith.xori %lt3A_727, %lt3A_729 : i1
    %and3A_731 = arith.andi %ne3A_730, %ne3A_725 : i1
    %add3A_732 = arith.addi %rem3A_723, %select_n3A_722 : i32
    %select_n3A_733 = arith.select %and3A_731, %add3A_732, %rem3A_723 : i32
    %dma_start3A_734 = arith.constant 14336 : i32
    %dma_start3A_735 = tpu.memref_slice %arg5[%dma_start3A_734] : memref<25600xi32, #tpu.memory_space<vmem>> -> memref<1024xi32, #tpu.memory_space<vmem>>
    %dma_start3A_736 = tpu.memref_slice %arg3[%select_n3A_717, %select_n3A_733] : memref<50x16384xi32, #tpu.memory_space<hbm>> -> memref<1x1024xi32, #tpu.memory_space<hbm>>
    %dma_start3A_737 = tpu.memref_squeeze %dma_start3A_736 : memref<1x1024xi32, #tpu.memory_space<hbm>> -> memref<1024xi32, #tpu.memory_space<hbm>>
    %dma_start3A_738 = arith.constant 14336 : i32
    %dma_start3A_739 = tpu.memref_slice %arg5[%dma_start3A_738] : memref<25600xi32, #tpu.memory_space<vmem>> -> memref<1024xi32, #tpu.memory_space<vmem>>
    %dma_start3A_740 = tpu.memref_slice %arg3[%select_n3A_717, %select_n3A_733] : memref<50x16384xi32, #tpu.memory_space<hbm>> -> memref<1x1024xi32, #tpu.memory_space<hbm>>
    %dma_start3A_741 = tpu.memref_squeeze %dma_start3A_740 : memref<1x1024xi32, #tpu.memory_space<hbm>> -> memref<1024xi32, #tpu.memory_space<hbm>>
    tpu.enqueue_dma source(%dma_start3A_741 : memref<1024xi32, #tpu.memory_space<hbm>>) target(%dma_start3A_739 : memref<1024xi32, #tpu.memory_space<vmem>>) target_semaphore(%arg7 : memref<!tpu.dma_semaphore, #tpu.memory_space<semaphore_mem>>)
    %add3A_742 = arith.constant 15360 : i32
    %add3A_743 = arith.addi %mul3A_2, %add3A_742 : i32
    %jit3A_744 = arith.constant 16384 : i32
    %div3A_745 = arith.divsi %add3A_743, %jit3A_744 : i32
    %sign3A_746 = arith.constant 0 : i32
    %sign3A_747 = arith.cmpi sgt, %add3A_743, %sign3A_746 : i32
    %sign3A_748 = arith.extui %sign3A_747 : i1 to i32
    %sign3A_749 = arith.constant 0 : i32
    %sign3A_750 = arith.cmpi slt, %add3A_743, %sign3A_749 : i32
    %sign3A_751 = arith.extui %sign3A_750 : i1 to i32
    %sign3A_752 = arith.subi %sign3A_748, %sign3A_751 : i32
    %sign3A_753 = arith.constant 0 : i32
    %sign3A_754 = arith.cmpi sgt, %jit3A_744, %sign3A_753 : i32
    %sign3A_755 = arith.extui %sign3A_754 : i1 to i32
    %sign3A_756 = arith.constant 0 : i32
    %sign3A_757 = arith.cmpi slt, %jit3A_744, %sign3A_756 : i32
    %sign3A_758 = arith.extui %sign3A_757 : i1 to i32
    %sign3A_759 = arith.subi %sign3A_755, %sign3A_758 : i32
    %ne3A_760 = arith.cmpi ne, %sign3A_752, %sign3A_759 : i32
    %rem3A_761 = arith.remsi %add3A_743, %jit3A_744 : i32
    %ne3A_762 = arith.constant 0 : i32
    %ne3A_763 = arith.cmpi ne, %rem3A_761, %ne3A_762 : i32
    %and3A_764 = arith.andi %ne3A_760, %ne3A_763 : i1
    %sub3A_765 = arith.constant 1 : i32
    %sub3A_766 = arith.subi %div3A_745, %sub3A_765 : i32
    %select_n3A_767 = arith.select %and3A_764, %sub3A_766, %div3A_745 : i32
    %jit3A_768 = arith.constant 16384 : i32
    %eq3A_769 = arith.constant 0 : i32
    %eq3A_770 = arith.cmpi eq, %jit3A_768, %eq3A_769 : i32
    %jit3A_771 = arith.constant 1 : i32
    %select_n3A_772 = arith.select %eq3A_770, %jit3A_771, %jit3A_768 : i32
    %rem3A_773 = arith.remsi %add3A_743, %select_n3A_772 : i32
    %ne3A_774 = arith.constant 0 : i32
    %ne3A_775 = arith.cmpi ne, %rem3A_773, %ne3A_774 : i32
    %lt3A_776 = arith.constant 0 : i32
    %lt3A_777 = arith.cmpi slt, %rem3A_773, %lt3A_776 : i32
    %lt3A_778 = arith.constant 0 : i32
    %lt3A_779 = arith.cmpi slt, %select_n3A_772, %lt3A_778 : i32
    %ne3A_780 = arith.xori %lt3A_777, %lt3A_779 : i1
    %and3A_781 = arith.andi %ne3A_780, %ne3A_775 : i1
    %add3A_782 = arith.addi %rem3A_773, %select_n3A_772 : i32
    %select_n3A_783 = arith.select %and3A_781, %add3A_782, %rem3A_773 : i32
    %dma_start3A_784 = arith.constant 15360 : i32
    %dma_start3A_785 = tpu.memref_slice %arg5[%dma_start3A_784] : memref<25600xi32, #tpu.memory_space<vmem>> -> memref<1024xi32, #tpu.memory_space<vmem>>
    %dma_start3A_786 = tpu.memref_slice %arg3[%select_n3A_767, %select_n3A_783] : memref<50x16384xi32, #tpu.memory_space<hbm>> -> memref<1x1024xi32, #tpu.memory_space<hbm>>
    %dma_start3A_787 = tpu.memref_squeeze %dma_start3A_786 : memref<1x1024xi32, #tpu.memory_space<hbm>> -> memref<1024xi32, #tpu.memory_space<hbm>>
    %dma_start3A_788 = arith.constant 15360 : i32
    %dma_start3A_789 = tpu.memref_slice %arg5[%dma_start3A_788] : memref<25600xi32, #tpu.memory_space<vmem>> -> memref<1024xi32, #tpu.memory_space<vmem>>
    %dma_start3A_790 = tpu.memref_slice %arg3[%select_n3A_767, %select_n3A_783] : memref<50x16384xi32, #tpu.memory_space<hbm>> -> memref<1x1024xi32, #tpu.memory_space<hbm>>
    %dma_start3A_791 = tpu.memref_squeeze %dma_start3A_790 : memref<1x1024xi32, #tpu.memory_space<hbm>> -> memref<1024xi32, #tpu.memory_space<hbm>>
    tpu.enqueue_dma source(%dma_start3A_791 : memref<1024xi32, #tpu.memory_space<hbm>>) target(%dma_start3A_789 : memref<1024xi32, #tpu.memory_space<vmem>>) target_semaphore(%arg7 : memref<!tpu.dma_semaphore, #tpu.memory_space<semaphore_mem>>)
    %add3A_792 = arith.constant 16384 : i32
    %add3A_793 = arith.addi %mul3A_2, %add3A_792 : i32
    %jit3A_794 = arith.constant 16384 : i32
    %div3A_795 = arith.divsi %add3A_793, %jit3A_794 : i32
    %sign3A_796 = arith.constant 0 : i32
    %sign3A_797 = arith.cmpi sgt, %add3A_793, %sign3A_796 : i32
    %sign3A_798 = arith.extui %sign3A_797 : i1 to i32
    %sign3A_799 = arith.constant 0 : i32
    %sign3A_800 = arith.cmpi slt, %add3A_793, %sign3A_799 : i32
    %sign3A_801 = arith.extui %sign3A_800 : i1 to i32
    %sign3A_802 = arith.subi %sign3A_798, %sign3A_801 : i32
    %sign3A_803 = arith.constant 0 : i32
    %sign3A_804 = arith.cmpi sgt, %jit3A_794, %sign3A_803 : i32
    %sign3A_805 = arith.extui %sign3A_804 : i1 to i32
    %sign3A_806 = arith.constant 0 : i32
    %sign3A_807 = arith.cmpi slt, %jit3A_794, %sign3A_806 : i32
    %sign3A_808 = arith.extui %sign3A_807 : i1 to i32
    %sign3A_809 = arith.subi %sign3A_805, %sign3A_808 : i32
    %ne3A_810 = arith.cmpi ne, %sign3A_802, %sign3A_809 : i32
    %rem3A_811 = arith.remsi %add3A_793, %jit3A_794 : i32
    %ne3A_812 = arith.constant 0 : i32
    %ne3A_813 = arith.cmpi ne, %rem3A_811, %ne3A_812 : i32
    %and3A_814 = arith.andi %ne3A_810, %ne3A_813 : i1
    %sub3A_815 = arith.constant 1 : i32
    %sub3A_816 = arith.subi %div3A_795, %sub3A_815 : i32
    %select_n3A_817 = arith.select %and3A_814, %sub3A_816, %div3A_795 : i32
    %jit3A_818 = arith.constant 16384 : i32
    %eq3A_819 = arith.constant 0 : i32
    %eq3A_820 = arith.cmpi eq, %jit3A_818, %eq3A_819 : i32
    %jit3A_821 = arith.constant 1 : i32
    %select_n3A_822 = arith.select %eq3A_820, %jit3A_821, %jit3A_818 : i32
    %rem3A_823 = arith.remsi %add3A_793, %select_n3A_822 : i32
    %ne3A_824 = arith.constant 0 : i32
    %ne3A_825 = arith.cmpi ne, %rem3A_823, %ne3A_824 : i32
    %lt3A_826 = arith.constant 0 : i32
    %lt3A_827 = arith.cmpi slt, %rem3A_823, %lt3A_826 : i32
    %lt3A_828 = arith.constant 0 : i32
    %lt3A_829 = arith.cmpi slt, %select_n3A_822, %lt3A_828 : i32
    %ne3A_830 = arith.xori %lt3A_827, %lt3A_829 : i1
    %and3A_831 = arith.andi %ne3A_830, %ne3A_825 : i1
    %add3A_832 = arith.addi %rem3A_823, %select_n3A_822 : i32
    %select_n3A_833 = arith.select %and3A_831, %add3A_832, %rem3A_823 : i32
    %dma_start3A_834 = arith.constant 16384 : i32
    %dma_start3A_835 = tpu.memref_slice %arg5[%dma_start3A_834] : memref<25600xi32, #tpu.memory_space<vmem>> -> memref<1024xi32, #tpu.memory_space<vmem>>
    %dma_start3A_836 = tpu.memref_slice %arg3[%select_n3A_817, %select_n3A_833] : memref<50x16384xi32, #tpu.memory_space<hbm>> -> memref<1x1024xi32, #tpu.memory_space<hbm>>
    %dma_start3A_837 = tpu.memref_squeeze %dma_start3A_836 : memref<1x1024xi32, #tpu.memory_space<hbm>> -> memref<1024xi32, #tpu.memory_space<hbm>>
    %dma_start3A_838 = arith.constant 16384 : i32
    %dma_start3A_839 = tpu.memref_slice %arg5[%dma_start3A_838] : memref<25600xi32, #tpu.memory_space<vmem>> -> memref<1024xi32, #tpu.memory_space<vmem>>
    %dma_start3A_840 = tpu.memref_slice %arg3[%select_n3A_817, %select_n3A_833] : memref<50x16384xi32, #tpu.memory_space<hbm>> -> memref<1x1024xi32, #tpu.memory_space<hbm>>
    %dma_start3A_841 = tpu.memref_squeeze %dma_start3A_840 : memref<1x1024xi32, #tpu.memory_space<hbm>> -> memref<1024xi32, #tpu.memory_space<hbm>>
    tpu.enqueue_dma source(%dma_start3A_841 : memref<1024xi32, #tpu.memory_space<hbm>>) target(%dma_start3A_839 : memref<1024xi32, #tpu.memory_space<vmem>>) target_semaphore(%arg7 : memref<!tpu.dma_semaphore, #tpu.memory_space<semaphore_mem>>)
    %add3A_842 = arith.constant 17408 : i32
    %add3A_843 = arith.addi %mul3A_2, %add3A_842 : i32
    %jit3A_844 = arith.constant 16384 : i32
    %div3A_845 = arith.divsi %add3A_843, %jit3A_844 : i32
    %sign3A_846 = arith.constant 0 : i32
    %sign3A_847 = arith.cmpi sgt, %add3A_843, %sign3A_846 : i32
    %sign3A_848 = arith.extui %sign3A_847 : i1 to i32
    %sign3A_849 = arith.constant 0 : i32
    %sign3A_850 = arith.cmpi slt, %add3A_843, %sign3A_849 : i32
    %sign3A_851 = arith.extui %sign3A_850 : i1 to i32
    %sign3A_852 = arith.subi %sign3A_848, %sign3A_851 : i32
    %sign3A_853 = arith.constant 0 : i32
    %sign3A_854 = arith.cmpi sgt, %jit3A_844, %sign3A_853 : i32
    %sign3A_855 = arith.extui %sign3A_854 : i1 to i32
    %sign3A_856 = arith.constant 0 : i32
    %sign3A_857 = arith.cmpi slt, %jit3A_844, %sign3A_856 : i32
    %sign3A_858 = arith.extui %sign3A_857 : i1 to i32
    %sign3A_859 = arith.subi %sign3A_855, %sign3A_858 : i32
    %ne3A_860 = arith.cmpi ne, %sign3A_852, %sign3A_859 : i32
    %rem3A_861 = arith.remsi %add3A_843, %jit3A_844 : i32
    %ne3A_862 = arith.constant 0 : i32
    %ne3A_863 = arith.cmpi ne, %rem3A_861, %ne3A_862 : i32
    %and3A_864 = arith.andi %ne3A_860, %ne3A_863 : i1
    %sub3A_865 = arith.constant 1 : i32
    %sub3A_866 = arith.subi %div3A_845, %sub3A_865 : i32
    %select_n3A_867 = arith.select %and3A_864, %sub3A_866, %div3A_845 : i32
    %jit3A_868 = arith.constant 16384 : i32
    %eq3A_869 = arith.constant 0 : i32
    %eq3A_870 = arith.cmpi eq, %jit3A_868, %eq3A_869 : i32
    %jit3A_871 = arith.constant 1 : i32
    %select_n3A_872 = arith.select %eq3A_870, %jit3A_871, %jit3A_868 : i32
    %rem3A_873 = arith.remsi %add3A_843, %select_n3A_872 : i32
    %ne3A_874 = arith.constant 0 : i32
    %ne3A_875 = arith.cmpi ne, %rem3A_873, %ne3A_874 : i32
    %lt3A_876 = arith.constant 0 : i32
    %lt3A_877 = arith.cmpi slt, %rem3A_873, %lt3A_876 : i32
    %lt3A_878 = arith.constant 0 : i32
    %lt3A_879 = arith.cmpi slt, %select_n3A_872, %lt3A_878 : i32
    %ne3A_880 = arith.xori %lt3A_877, %lt3A_879 : i1
    %and3A_881 = arith.andi %ne3A_880, %ne3A_875 : i1
    %add3A_882 = arith.addi %rem3A_873, %select_n3A_872 : i32
    %select_n3A_883 = arith.select %and3A_881, %add3A_882, %rem3A_873 : i32
    %dma_start3A_884 = arith.constant 17408 : i32
    %dma_start3A_885 = tpu.memref_slice %arg5[%dma_start3A_884] : memref<25600xi32, #tpu.memory_space<vmem>> -> memref<1024xi32, #tpu.memory_space<vmem>>
    %dma_start3A_886 = tpu.memref_slice %arg3[%select_n3A_867, %select_n3A_883] : memref<50x16384xi32, #tpu.memory_space<hbm>> -> memref<1x1024xi32, #tpu.memory_space<hbm>>
    %dma_start3A_887 = tpu.memref_squeeze %dma_start3A_886 : memref<1x1024xi32, #tpu.memory_space<hbm>> -> memref<1024xi32, #tpu.memory_space<hbm>>
    %dma_start3A_888 = arith.constant 17408 : i32
    %dma_start3A_889 = tpu.memref_slice %arg5[%dma_start3A_888] : memref<25600xi32, #tpu.memory_space<vmem>> -> memref<1024xi32, #tpu.memory_space<vmem>>
    %dma_start3A_890 = tpu.memref_slice %arg3[%select_n3A_867, %select_n3A_883] : memref<50x16384xi32, #tpu.memory_space<hbm>> -> memref<1x1024xi32, #tpu.memory_space<hbm>>
    %dma_start3A_891 = tpu.memref_squeeze %dma_start3A_890 : memref<1x1024xi32, #tpu.memory_space<hbm>> -> memref<1024xi32, #tpu.memory_space<hbm>>
    tpu.enqueue_dma source(%dma_start3A_891 : memref<1024xi32, #tpu.memory_space<hbm>>) target(%dma_start3A_889 : memref<1024xi32, #tpu.memory_space<vmem>>) target_semaphore(%arg7 : memref<!tpu.dma_semaphore, #tpu.memory_space<semaphore_mem>>)
    %add3A_892 = arith.constant 18432 : i32
    %add3A_893 = arith.addi %mul3A_2, %add3A_892 : i32
    %jit3A_894 = arith.constant 16384 : i32
    %div3A_895 = arith.divsi %add3A_893, %jit3A_894 : i32
    %sign3A_896 = arith.constant 0 : i32
    %sign3A_897 = arith.cmpi sgt, %add3A_893, %sign3A_896 : i32
    %sign3A_898 = arith.extui %sign3A_897 : i1 to i32
    %sign3A_899 = arith.constant 0 : i32
    %sign3A_900 = arith.cmpi slt, %add3A_893, %sign3A_899 : i32
    %sign3A_901 = arith.extui %sign3A_900 : i1 to i32
    %sign3A_902 = arith.subi %sign3A_898, %sign3A_901 : i32
    %sign3A_903 = arith.constant 0 : i32
    %sign3A_904 = arith.cmpi sgt, %jit3A_894, %sign3A_903 : i32
    %sign3A_905 = arith.extui %sign3A_904 : i1 to i32
    %sign3A_906 = arith.constant 0 : i32
    %sign3A_907 = arith.cmpi slt, %jit3A_894, %sign3A_906 : i32
    %sign3A_908 = arith.extui %sign3A_907 : i1 to i32
    %sign3A_909 = arith.subi %sign3A_905, %sign3A_908 : i32
    %ne3A_910 = arith.cmpi ne, %sign3A_902, %sign3A_909 : i32
    %rem3A_911 = arith.remsi %add3A_893, %jit3A_894 : i32
    %ne3A_912 = arith.constant 0 : i32
    %ne3A_913 = arith.cmpi ne, %rem3A_911, %ne3A_912 : i32
    %and3A_914 = arith.andi %ne3A_910, %ne3A_913 : i1
    %sub3A_915 = arith.constant 1 : i32
    %sub3A_916 = arith.subi %div3A_895, %sub3A_915 : i32
    %select_n3A_917 = arith.select %and3A_914, %sub3A_916, %div3A_895 : i32
    %jit3A_918 = arith.constant 16384 : i32
    %eq3A_919 = arith.constant 0 : i32
    %eq3A_920 = arith.cmpi eq, %jit3A_918, %eq3A_919 : i32
    %jit3A_921 = arith.constant 1 : i32
    %select_n3A_922 = arith.select %eq3A_920, %jit3A_921, %jit3A_918 : i32
    %rem3A_923 = arith.remsi %add3A_893, %select_n3A_922 : i32
    %ne3A_924 = arith.constant 0 : i32
    %ne3A_925 = arith.cmpi ne, %rem3A_923, %ne3A_924 : i32
    %lt3A_926 = arith.constant 0 : i32
    %lt3A_927 = arith.cmpi slt, %rem3A_923, %lt3A_926 : i32
    %lt3A_928 = arith.constant 0 : i32
    %lt3A_929 = arith.cmpi slt, %select_n3A_922, %lt3A_928 : i32
    %ne3A_930 = arith.xori %lt3A_927, %lt3A_929 : i1
    %and3A_931 = arith.andi %ne3A_930, %ne3A_925 : i1
    %add3A_932 = arith.addi %rem3A_923, %select_n3A_922 : i32
    %select_n3A_933 = arith.select %and3A_931, %add3A_932, %rem3A_923 : i32
    %dma_start3A_934 = arith.constant 18432 : i32
    %dma_start3A_935 = tpu.memref_slice %arg5[%dma_start3A_934] : memref<25600xi32, #tpu.memory_space<vmem>> -> memref<1024xi32, #tpu.memory_space<vmem>>
    %dma_start3A_936 = tpu.memref_slice %arg3[%select_n3A_917, %select_n3A_933] : memref<50x16384xi32, #tpu.memory_space<hbm>> -> memref<1x1024xi32, #tpu.memory_space<hbm>>
    %dma_start3A_937 = tpu.memref_squeeze %dma_start3A_936 : memref<1x1024xi32, #tpu.memory_space<hbm>> -> memref<1024xi32, #tpu.memory_space<hbm>>
    %dma_start3A_938 = arith.constant 18432 : i32
    %dma_start3A_939 = tpu.memref_slice %arg5[%dma_start3A_938] : memref<25600xi32, #tpu.memory_space<vmem>> -> memref<1024xi32, #tpu.memory_space<vmem>>
    %dma_start3A_940 = tpu.memref_slice %arg3[%select_n3A_917, %select_n3A_933] : memref<50x16384xi32, #tpu.memory_space<hbm>> -> memref<1x1024xi32, #tpu.memory_space<hbm>>
    %dma_start3A_941 = tpu.memref_squeeze %dma_start3A_940 : memref<1x1024xi32, #tpu.memory_space<hbm>> -> memref<1024xi32, #tpu.memory_space<hbm>>
    tpu.enqueue_dma source(%dma_start3A_941 : memref<1024xi32, #tpu.memory_space<hbm>>) target(%dma_start3A_939 : memref<1024xi32, #tpu.memory_space<vmem>>) target_semaphore(%arg7 : memref<!tpu.dma_semaphore, #tpu.memory_space<semaphore_mem>>)
    %add3A_942 = arith.constant 19456 : i32
    %add3A_943 = arith.addi %mul3A_2, %add3A_942 : i32
    %jit3A_944 = arith.constant 16384 : i32
    %div3A_945 = arith.divsi %add3A_943, %jit3A_944 : i32
    %sign3A_946 = arith.constant 0 : i32
    %sign3A_947 = arith.cmpi sgt, %add3A_943, %sign3A_946 : i32
    %sign3A_948 = arith.extui %sign3A_947 : i1 to i32
    %sign3A_949 = arith.constant 0 : i32
    %sign3A_950 = arith.cmpi slt, %add3A_943, %sign3A_949 : i32
    %sign3A_951 = arith.extui %sign3A_950 : i1 to i32
    %sign3A_952 = arith.subi %sign3A_948, %sign3A_951 : i32
    %sign3A_953 = arith.constant 0 : i32
    %sign3A_954 = arith.cmpi sgt, %jit3A_944, %sign3A_953 : i32
    %sign3A_955 = arith.extui %sign3A_954 : i1 to i32
    %sign3A_956 = arith.constant 0 : i32
    %sign3A_957 = arith.cmpi slt, %jit3A_944, %sign3A_956 : i32
    %sign3A_958 = arith.extui %sign3A_957 : i1 to i32
    %sign3A_959 = arith.subi %sign3A_955, %sign3A_958 : i32
    %ne3A_960 = arith.cmpi ne, %sign3A_952, %sign3A_959 : i32
    %rem3A_961 = arith.remsi %add3A_943, %jit3A_944 : i32
    %ne3A_962 = arith.constant 0 : i32
    %ne3A_963 = arith.cmpi ne, %rem3A_961, %ne3A_962 : i32
    %and3A_964 = arith.andi %ne3A_960, %ne3A_963 : i1
    %sub3A_965 = arith.constant 1 : i32
    %sub3A_966 = arith.subi %div3A_945, %sub3A_965 : i32
    %select_n3A_967 = arith.select %and3A_964, %sub3A_966, %div3A_945 : i32
    %jit3A_968 = arith.constant 16384 : i32
    %eq3A_969 = arith.constant 0 : i32
    %eq3A_970 = arith.cmpi eq, %jit3A_968, %eq3A_969 : i32
    %jit3A_971 = arith.constant 1 : i32
    %select_n3A_972 = arith.select %eq3A_970, %jit3A_971, %jit3A_968 : i32
    %rem3A_973 = arith.remsi %add3A_943, %select_n3A_972 : i32
    %ne3A_974 = arith.constant 0 : i32
    %ne3A_975 = arith.cmpi ne, %rem3A_973, %ne3A_974 : i32
    %lt3A_976 = arith.constant 0 : i32
    %lt3A_977 = arith.cmpi slt, %rem3A_973, %lt3A_976 : i32
    %lt3A_978 = arith.constant 0 : i32
    %lt3A_979 = arith.cmpi slt, %select_n3A_972, %lt3A_978 : i32
    %ne3A_980 = arith.xori %lt3A_977, %lt3A_979 : i1
    %and3A_981 = arith.andi %ne3A_980, %ne3A_975 : i1
    %add3A_982 = arith.addi %rem3A_973, %select_n3A_972 : i32
    %select_n3A_983 = arith.select %and3A_981, %add3A_982, %rem3A_973 : i32
    %dma_start3A_984 = arith.constant 19456 : i32
    %dma_start3A_985 = tpu.memref_slice %arg5[%dma_start3A_984] : memref<25600xi32, #tpu.memory_space<vmem>> -> memref<1024xi32, #tpu.memory_space<vmem>>
    %dma_start3A_986 = tpu.memref_slice %arg3[%select_n3A_967, %select_n3A_983] : memref<50x16384xi32, #tpu.memory_space<hbm>> -> memref<1x1024xi32, #tpu.memory_space<hbm>>
    %dma_start3A_987 = tpu.memref_squeeze %dma_start3A_986 : memref<1x1024xi32, #tpu.memory_space<hbm>> -> memref<1024xi32, #tpu.memory_space<hbm>>
    %dma_start3A_988 = arith.constant 19456 : i32
    %dma_start3A_989 = tpu.memref_slice %arg5[%dma_start3A_988] : memref<25600xi32, #tpu.memory_space<vmem>> -> memref<1024xi32, #tpu.memory_space<vmem>>
    %dma_start3A_990 = tpu.memref_slice %arg3[%select_n3A_967, %select_n3A_983] : memref<50x16384xi32, #tpu.memory_space<hbm>> -> memref<1x1024xi32, #tpu.memory_space<hbm>>
    %dma_start3A_991 = tpu.memref_squeeze %dma_start3A_990 : memref<1x1024xi32, #tpu.memory_space<hbm>> -> memref<1024xi32, #tpu.memory_space<hbm>>
    tpu.enqueue_dma source(%dma_start3A_991 : memref<1024xi32, #tpu.memory_space<hbm>>) target(%dma_start3A_989 : memref<1024xi32, #tpu.memory_space<vmem>>) target_semaphore(%arg7 : memref<!tpu.dma_semaphore, #tpu.memory_space<semaphore_mem>>)
    %add3A_992 = arith.constant 20480 : i32
    %add3A_993 = arith.addi %mul3A_2, %add3A_992 : i32
    %jit3A_994 = arith.constant 16384 : i32
    %div3A_995 = arith.divsi %add3A_993, %jit3A_994 : i32
    %sign3A_996 = arith.constant 0 : i32
    %sign3A_997 = arith.cmpi sgt, %add3A_993, %sign3A_996 : i32
    %sign3A_998 = arith.extui %sign3A_997 : i1 to i32
    %sign3A_999 = arith.constant 0 : i32
    %sign3A_1000 = arith.cmpi slt, %add3A_993, %sign3A_999 : i32
    %sign3A_1001 = arith.extui %sign3A_1000 : i1 to i32
    %sign3A_1002 = arith.subi %sign3A_998, %sign3A_1001 : i32
    %sign3A_1003 = arith.constant 0 : i32
    %sign3A_1004 = arith.cmpi sgt, %jit3A_994, %sign3A_1003 : i32
    %sign3A_1005 = arith.extui %sign3A_1004 : i1 to i32
    %sign3A_1006 = arith.constant 0 : i32
    %sign3A_1007 = arith.cmpi slt, %jit3A_994, %sign3A_1006 : i32
    %sign3A_1008 = arith.extui %sign3A_1007 : i1 to i32
    %sign3A_1009 = arith.subi %sign3A_1005, %sign3A_1008 : i32
    %ne3A_1010 = arith.cmpi ne, %sign3A_1002, %sign3A_1009 : i32
    %rem3A_1011 = arith.remsi %add3A_993, %jit3A_994 : i32
    %ne3A_1012 = arith.constant 0 : i32
    %ne3A_1013 = arith.cmpi ne, %rem3A_1011, %ne3A_1012 : i32
    %and3A_1014 = arith.andi %ne3A_1010, %ne3A_1013 : i1
    %sub3A_1015 = arith.constant 1 : i32
    %sub3A_1016 = arith.subi %div3A_995, %sub3A_1015 : i32
    %select_n3A_1017 = arith.select %and3A_1014, %sub3A_1016, %div3A_995 : i32
    %jit3A_1018 = arith.constant 16384 : i32
    %eq3A_1019 = arith.constant 0 : i32
    %eq3A_1020 = arith.cmpi eq, %jit3A_1018, %eq3A_1019 : i32
    %jit3A_1021 = arith.constant 1 : i32
    %select_n3A_1022 = arith.select %eq3A_1020, %jit3A_1021, %jit3A_1018 : i32
    %rem3A_1023 = arith.remsi %add3A_993, %select_n3A_1022 : i32
    %ne3A_1024 = arith.constant 0 : i32
    %ne3A_1025 = arith.cmpi ne, %rem3A_1023, %ne3A_1024 : i32
    %lt3A_1026 = arith.constant 0 : i32
    %lt3A_1027 = arith.cmpi slt, %rem3A_1023, %lt3A_1026 : i32
    %lt3A_1028 = arith.constant 0 : i32
    %lt3A_1029 = arith.cmpi slt, %select_n3A_1022, %lt3A_1028 : i32
    %ne3A_1030 = arith.xori %lt3A_1027, %lt3A_1029 : i1
    %and3A_1031 = arith.andi %ne3A_1030, %ne3A_1025 : i1
    %add3A_1032 = arith.addi %rem3A_1023, %select_n3A_1022 : i32
    %select_n3A_1033 = arith.select %and3A_1031, %add3A_1032, %rem3A_1023 : i32
    %dma_start3A_1034 = arith.constant 20480 : i32
    %dma_start3A_1035 = tpu.memref_slice %arg5[%dma_start3A_1034] : memref<25600xi32, #tpu.memory_space<vmem>> -> memref<1024xi32, #tpu.memory_space<vmem>>
    %dma_start3A_1036 = tpu.memref_slice %arg3[%select_n3A_1017, %select_n3A_1033] : memref<50x16384xi32, #tpu.memory_space<hbm>> -> memref<1x1024xi32, #tpu.memory_space<hbm>>
    %dma_start3A_1037 = tpu.memref_squeeze %dma_start3A_1036 : memref<1x1024xi32, #tpu.memory_space<hbm>> -> memref<1024xi32, #tpu.memory_space<hbm>>
    %dma_start3A_1038 = arith.constant 20480 : i32
    %dma_start3A_1039 = tpu.memref_slice %arg5[%dma_start3A_1038] : memref<25600xi32, #tpu.memory_space<vmem>> -> memref<1024xi32, #tpu.memory_space<vmem>>
    %dma_start3A_1040 = tpu.memref_slice %arg3[%select_n3A_1017, %select_n3A_1033] : memref<50x16384xi32, #tpu.memory_space<hbm>> -> memref<1x1024xi32, #tpu.memory_space<hbm>>
    %dma_start3A_1041 = tpu.memref_squeeze %dma_start3A_1040 : memref<1x1024xi32, #tpu.memory_space<hbm>> -> memref<1024xi32, #tpu.memory_space<hbm>>
    tpu.enqueue_dma source(%dma_start3A_1041 : memref<1024xi32, #tpu.memory_space<hbm>>) target(%dma_start3A_1039 : memref<1024xi32, #tpu.memory_space<vmem>>) target_semaphore(%arg7 : memref<!tpu.dma_semaphore, #tpu.memory_space<semaphore_mem>>)
    %add3A_1042 = arith.constant 21504 : i32
    %add3A_1043 = arith.addi %mul3A_2, %add3A_1042 : i32
    %jit3A_1044 = arith.constant 16384 : i32
    %div3A_1045 = arith.divsi %add3A_1043, %jit3A_1044 : i32
    %sign3A_1046 = arith.constant 0 : i32
    %sign3A_1047 = arith.cmpi sgt, %add3A_1043, %sign3A_1046 : i32
    %sign3A_1048 = arith.extui %sign3A_1047 : i1 to i32
    %sign3A_1049 = arith.constant 0 : i32
    %sign3A_1050 = arith.cmpi slt, %add3A_1043, %sign3A_1049 : i32
    %sign3A_1051 = arith.extui %sign3A_1050 : i1 to i32
    %sign3A_1052 = arith.subi %sign3A_1048, %sign3A_1051 : i32
    %sign3A_1053 = arith.constant 0 : i32
    %sign3A_1054 = arith.cmpi sgt, %jit3A_1044, %sign3A_1053 : i32
    %sign3A_1055 = arith.extui %sign3A_1054 : i1 to i32
    %sign3A_1056 = arith.constant 0 : i32
    %sign3A_1057 = arith.cmpi slt, %jit3A_1044, %sign3A_1056 : i32
    %sign3A_1058 = arith.extui %sign3A_1057 : i1 to i32
    %sign3A_1059 = arith.subi %sign3A_1055, %sign3A_1058 : i32
    %ne3A_1060 = arith.cmpi ne, %sign3A_1052, %sign3A_1059 : i32
    %rem3A_1061 = arith.remsi %add3A_1043, %jit3A_1044 : i32
    %ne3A_1062 = arith.constant 0 : i32
    %ne3A_1063 = arith.cmpi ne, %rem3A_1061, %ne3A_1062 : i32
    %and3A_1064 = arith.andi %ne3A_1060, %ne3A_1063 : i1
    %sub3A_1065 = arith.constant 1 : i32
    %sub3A_1066 = arith.subi %div3A_1045, %sub3A_1065 : i32
    %select_n3A_1067 = arith.select %and3A_1064, %sub3A_1066, %div3A_1045 : i32
    %jit3A_1068 = arith.constant 16384 : i32
    %eq3A_1069 = arith.constant 0 : i32
    %eq3A_1070 = arith.cmpi eq, %jit3A_1068, %eq3A_1069 : i32
    %jit3A_1071 = arith.constant 1 : i32
    %select_n3A_1072 = arith.select %eq3A_1070, %jit3A_1071, %jit3A_1068 : i32
    %rem3A_1073 = arith.remsi %add3A_1043, %select_n3A_1072 : i32
    %ne3A_1074 = arith.constant 0 : i32
    %ne3A_1075 = arith.cmpi ne, %rem3A_1073, %ne3A_1074 : i32
    %lt3A_1076 = arith.constant 0 : i32
    %lt3A_1077 = arith.cmpi slt, %rem3A_1073, %lt3A_1076 : i32
    %lt3A_1078 = arith.constant 0 : i32
    %lt3A_1079 = arith.cmpi slt, %select_n3A_1072, %lt3A_1078 : i32
    %ne3A_1080 = arith.xori %lt3A_1077, %lt3A_1079 : i1
    %and3A_1081 = arith.andi %ne3A_1080, %ne3A_1075 : i1
    %add3A_1082 = arith.addi %rem3A_1073, %select_n3A_1072 : i32
    %select_n3A_1083 = arith.select %and3A_1081, %add3A_1082, %rem3A_1073 : i32
    %dma_start3A_1084 = arith.constant 21504 : i32
    %dma_start3A_1085 = tpu.memref_slice %arg5[%dma_start3A_1084] : memref<25600xi32, #tpu.memory_space<vmem>> -> memref<1024xi32, #tpu.memory_space<vmem>>
    %dma_start3A_1086 = tpu.memref_slice %arg3[%select_n3A_1067, %select_n3A_1083] : memref<50x16384xi32, #tpu.memory_space<hbm>> -> memref<1x1024xi32, #tpu.memory_space<hbm>>
    %dma_start3A_1087 = tpu.memref_squeeze %dma_start3A_1086 : memref<1x1024xi32, #tpu.memory_space<hbm>> -> memref<1024xi32, #tpu.memory_space<hbm>>
    %dma_start3A_1088 = arith.constant 21504 : i32
    %dma_start3A_1089 = tpu.memref_slice %arg5[%dma_start3A_1088] : memref<25600xi32, #tpu.memory_space<vmem>> -> memref<1024xi32, #tpu.memory_space<vmem>>
    %dma_start3A_1090 = tpu.memref_slice %arg3[%select_n3A_1067, %select_n3A_1083] : memref<50x16384xi32, #tpu.memory_space<hbm>> -> memref<1x1024xi32, #tpu.memory_space<hbm>>
    %dma_start3A_1091 = tpu.memref_squeeze %dma_start3A_1090 : memref<1x1024xi32, #tpu.memory_space<hbm>> -> memref<1024xi32, #tpu.memory_space<hbm>>
    tpu.enqueue_dma source(%dma_start3A_1091 : memref<1024xi32, #tpu.memory_space<hbm>>) target(%dma_start3A_1089 : memref<1024xi32, #tpu.memory_space<vmem>>) target_semaphore(%arg7 : memref<!tpu.dma_semaphore, #tpu.memory_space<semaphore_mem>>)
    %add3A_1092 = arith.constant 22528 : i32
    %add3A_1093 = arith.addi %mul3A_2, %add3A_1092 : i32
    %jit3A_1094 = arith.constant 16384 : i32
    %div3A_1095 = arith.divsi %add3A_1093, %jit3A_1094 : i32
    %sign3A_1096 = arith.constant 0 : i32
    %sign3A_1097 = arith.cmpi sgt, %add3A_1093, %sign3A_1096 : i32
    %sign3A_1098 = arith.extui %sign3A_1097 : i1 to i32
    %sign3A_1099 = arith.constant 0 : i32
    %sign3A_1100 = arith.cmpi slt, %add3A_1093, %sign3A_1099 : i32
    %sign3A_1101 = arith.extui %sign3A_1100 : i1 to i32
    %sign3A_1102 = arith.subi %sign3A_1098, %sign3A_1101 : i32
    %sign3A_1103 = arith.constant 0 : i32
    %sign3A_1104 = arith.cmpi sgt, %jit3A_1094, %sign3A_1103 : i32
    %sign3A_1105 = arith.extui %sign3A_1104 : i1 to i32
    %sign3A_1106 = arith.constant 0 : i32
    %sign3A_1107 = arith.cmpi slt, %jit3A_1094, %sign3A_1106 : i32
    %sign3A_1108 = arith.extui %sign3A_1107 : i1 to i32
    %sign3A_1109 = arith.subi %sign3A_1105, %sign3A_1108 : i32
    %ne3A_1110 = arith.cmpi ne, %sign3A_1102, %sign3A_1109 : i32
    %rem3A_1111 = arith.remsi %add3A_1093, %jit3A_1094 : i32
    %ne3A_1112 = arith.constant 0 : i32
    %ne3A_1113 = arith.cmpi ne, %rem3A_1111, %ne3A_1112 : i32
    %and3A_1114 = arith.andi %ne3A_1110, %ne3A_1113 : i1
    %sub3A_1115 = arith.constant 1 : i32
    %sub3A_1116 = arith.subi %div3A_1095, %sub3A_1115 : i32
    %select_n3A_1117 = arith.select %and3A_1114, %sub3A_1116, %div3A_1095 : i32
    %jit3A_1118 = arith.constant 16384 : i32
    %eq3A_1119 = arith.constant 0 : i32
    %eq3A_1120 = arith.cmpi eq, %jit3A_1118, %eq3A_1119 : i32
    %jit3A_1121 = arith.constant 1 : i32
    %select_n3A_1122 = arith.select %eq3A_1120, %jit3A_1121, %jit3A_1118 : i32
    %rem3A_1123 = arith.remsi %add3A_1093, %select_n3A_1122 : i32
    %ne3A_1124 = arith.constant 0 : i32
    %ne3A_1125 = arith.cmpi ne, %rem3A_1123, %ne3A_1124 : i32
    %lt3A_1126 = arith.constant 0 : i32
    %lt3A_1127 = arith.cmpi slt, %rem3A_1123, %lt3A_1126 : i32
    %lt3A_1128 = arith.constant 0 : i32
    %lt3A_1129 = arith.cmpi slt, %select_n3A_1122, %lt3A_1128 : i32
    %ne3A_1130 = arith.xori %lt3A_1127, %lt3A_1129 : i1
    %and3A_1131 = arith.andi %ne3A_1130, %ne3A_1125 : i1
    %add3A_1132 = arith.addi %rem3A_1123, %select_n3A_1122 : i32
    %select_n3A_1133 = arith.select %and3A_1131, %add3A_1132, %rem3A_1123 : i32
    %dma_start3A_1134 = arith.constant 22528 : i32
    %dma_start3A_1135 = tpu.memref_slice %arg5[%dma_start3A_1134] : memref<25600xi32, #tpu.memory_space<vmem>> -> memref<1024xi32, #tpu.memory_space<vmem>>
    %dma_start3A_1136 = tpu.memref_slice %arg3[%select_n3A_1117, %select_n3A_1133] : memref<50x16384xi32, #tpu.memory_space<hbm>> -> memref<1x1024xi32, #tpu.memory_space<hbm>>
    %dma_start3A_1137 = tpu.memref_squeeze %dma_start3A_1136 : memref<1x1024xi32, #tpu.memory_space<hbm>> -> memref<1024xi32, #tpu.memory_space<hbm>>
    %dma_start3A_1138 = arith.constant 22528 : i32
    %dma_start3A_1139 = tpu.memref_slice %arg5[%dma_start3A_1138] : memref<25600xi32, #tpu.memory_space<vmem>> -> memref<1024xi32, #tpu.memory_space<vmem>>
    %dma_start3A_1140 = tpu.memref_slice %arg3[%select_n3A_1117, %select_n3A_1133] : memref<50x16384xi32, #tpu.memory_space<hbm>> -> memref<1x1024xi32, #tpu.memory_space<hbm>>
    %dma_start3A_1141 = tpu.memref_squeeze %dma_start3A_1140 : memref<1x1024xi32, #tpu.memory_space<hbm>> -> memref<1024xi32, #tpu.memory_space<hbm>>
    tpu.enqueue_dma source(%dma_start3A_1141 : memref<1024xi32, #tpu.memory_space<hbm>>) target(%dma_start3A_1139 : memref<1024xi32, #tpu.memory_space<vmem>>) target_semaphore(%arg7 : memref<!tpu.dma_semaphore, #tpu.memory_space<semaphore_mem>>)
    %add3A_1142 = arith.constant 23552 : i32
    %add3A_1143 = arith.addi %mul3A_2, %add3A_1142 : i32
    %jit3A_1144 = arith.constant 16384 : i32
    %div3A_1145 = arith.divsi %add3A_1143, %jit3A_1144 : i32
    %sign3A_1146 = arith.constant 0 : i32
    %sign3A_1147 = arith.cmpi sgt, %add3A_1143, %sign3A_1146 : i32
    %sign3A_1148 = arith.extui %sign3A_1147 : i1 to i32
    %sign3A_1149 = arith.constant 0 : i32
    %sign3A_1150 = arith.cmpi slt, %add3A_1143, %sign3A_1149 : i32
    %sign3A_1151 = arith.extui %sign3A_1150 : i1 to i32
    %sign3A_1152 = arith.subi %sign3A_1148, %sign3A_1151 : i32
    %sign3A_1153 = arith.constant 0 : i32
    %sign3A_1154 = arith.cmpi sgt, %jit3A_1144, %sign3A_1153 : i32
    %sign3A_1155 = arith.extui %sign3A_1154 : i1 to i32
    %sign3A_1156 = arith.constant 0 : i32
    %sign3A_1157 = arith.cmpi slt, %jit3A_1144, %sign3A_1156 : i32
    %sign3A_1158 = arith.extui %sign3A_1157 : i1 to i32
    %sign3A_1159 = arith.subi %sign3A_1155, %sign3A_1158 : i32
    %ne3A_1160 = arith.cmpi ne, %sign3A_1152, %sign3A_1159 : i32
    %rem3A_1161 = arith.remsi %add3A_1143, %jit3A_1144 : i32
    %ne3A_1162 = arith.constant 0 : i32
    %ne3A_1163 = arith.cmpi ne, %rem3A_1161, %ne3A_1162 : i32
    %and3A_1164 = arith.andi %ne3A_1160, %ne3A_1163 : i1
    %sub3A_1165 = arith.constant 1 : i32
    %sub3A_1166 = arith.subi %div3A_1145, %sub3A_1165 : i32
    %select_n3A_1167 = arith.select %and3A_1164, %sub3A_1166, %div3A_1145 : i32
    %jit3A_1168 = arith.constant 16384 : i32
    %eq3A_1169 = arith.constant 0 : i32
    %eq3A_1170 = arith.cmpi eq, %jit3A_1168, %eq3A_1169 : i32
    %jit3A_1171 = arith.constant 1 : i32
    %select_n3A_1172 = arith.select %eq3A_1170, %jit3A_1171, %jit3A_1168 : i32
    %rem3A_1173 = arith.remsi %add3A_1143, %select_n3A_1172 : i32
    %ne3A_1174 = arith.constant 0 : i32
    %ne3A_1175 = arith.cmpi ne, %rem3A_1173, %ne3A_1174 : i32
    %lt3A_1176 = arith.constant 0 : i32
    %lt3A_1177 = arith.cmpi slt, %rem3A_1173, %lt3A_1176 : i32
    %lt3A_1178 = arith.constant 0 : i32
    %lt3A_1179 = arith.cmpi slt, %select_n3A_1172, %lt3A_1178 : i32
    %ne3A_1180 = arith.xori %lt3A_1177, %lt3A_1179 : i1
    %and3A_1181 = arith.andi %ne3A_1180, %ne3A_1175 : i1
    %add3A_1182 = arith.addi %rem3A_1173, %select_n3A_1172 : i32
    %select_n3A_1183 = arith.select %and3A_1181, %add3A_1182, %rem3A_1173 : i32
    %dma_start3A_1184 = arith.constant 23552 : i32
    %dma_start3A_1185 = tpu.memref_slice %arg5[%dma_start3A_1184] : memref<25600xi32, #tpu.memory_space<vmem>> -> memref<1024xi32, #tpu.memory_space<vmem>>
    %dma_start3A_1186 = tpu.memref_slice %arg3[%select_n3A_1167, %select_n3A_1183] : memref<50x16384xi32, #tpu.memory_space<hbm>> -> memref<1x1024xi32, #tpu.memory_space<hbm>>
    %dma_start3A_1187 = tpu.memref_squeeze %dma_start3A_1186 : memref<1x1024xi32, #tpu.memory_space<hbm>> -> memref<1024xi32, #tpu.memory_space<hbm>>
    %dma_start3A_1188 = arith.constant 23552 : i32
    %dma_start3A_1189 = tpu.memref_slice %arg5[%dma_start3A_1188] : memref<25600xi32, #tpu.memory_space<vmem>> -> memref<1024xi32, #tpu.memory_space<vmem>>
    %dma_start3A_1190 = tpu.memref_slice %arg3[%select_n3A_1167, %select_n3A_1183] : memref<50x16384xi32, #tpu.memory_space<hbm>> -> memref<1x1024xi32, #tpu.memory_space<hbm>>
    %dma_start3A_1191 = tpu.memref_squeeze %dma_start3A_1190 : memref<1x1024xi32, #tpu.memory_space<hbm>> -> memref<1024xi32, #tpu.memory_space<hbm>>
    tpu.enqueue_dma source(%dma_start3A_1191 : memref<1024xi32, #tpu.memory_space<hbm>>) target(%dma_start3A_1189 : memref<1024xi32, #tpu.memory_space<vmem>>) target_semaphore(%arg7 : memref<!tpu.dma_semaphore, #tpu.memory_space<semaphore_mem>>)
    %add3A_1192 = arith.constant 24576 : i32
    %add3A_1193 = arith.addi %mul3A_2, %add3A_1192 : i32
    %jit3A_1194 = arith.constant 16384 : i32
    %div3A_1195 = arith.divsi %add3A_1193, %jit3A_1194 : i32
    %sign3A_1196 = arith.constant 0 : i32
    %sign3A_1197 = arith.cmpi sgt, %add3A_1193, %sign3A_1196 : i32
    %sign3A_1198 = arith.extui %sign3A_1197 : i1 to i32
    %sign3A_1199 = arith.constant 0 : i32
    %sign3A_1200 = arith.cmpi slt, %add3A_1193, %sign3A_1199 : i32
    %sign3A_1201 = arith.extui %sign3A_1200 : i1 to i32
    %sign3A_1202 = arith.subi %sign3A_1198, %sign3A_1201 : i32
    %sign3A_1203 = arith.constant 0 : i32
    %sign3A_1204 = arith.cmpi sgt, %jit3A_1194, %sign3A_1203 : i32
    %sign3A_1205 = arith.extui %sign3A_1204 : i1 to i32
    %sign3A_1206 = arith.constant 0 : i32
    %sign3A_1207 = arith.cmpi slt, %jit3A_1194, %sign3A_1206 : i32
    %sign3A_1208 = arith.extui %sign3A_1207 : i1 to i32
    %sign3A_1209 = arith.subi %sign3A_1205, %sign3A_1208 : i32
    %ne3A_1210 = arith.cmpi ne, %sign3A_1202, %sign3A_1209 : i32
    %rem3A_1211 = arith.remsi %add3A_1193, %jit3A_1194 : i32
    %ne3A_1212 = arith.constant 0 : i32
    %ne3A_1213 = arith.cmpi ne, %rem3A_1211, %ne3A_1212 : i32
    %and3A_1214 = arith.andi %ne3A_1210, %ne3A_1213 : i1
    %sub3A_1215 = arith.constant 1 : i32
    %sub3A_1216 = arith.subi %div3A_1195, %sub3A_1215 : i32
    %select_n3A_1217 = arith.select %and3A_1214, %sub3A_1216, %div3A_1195 : i32
    %jit3A_1218 = arith.constant 16384 : i32
    %eq3A_1219 = arith.constant 0 : i32
    %eq3A_1220 = arith.cmpi eq, %jit3A_1218, %eq3A_1219 : i32
    %jit3A_1221 = arith.constant 1 : i32
    %select_n3A_1222 = arith.select %eq3A_1220, %jit3A_1221, %jit3A_1218 : i32
    %rem3A_1223 = arith.remsi %add3A_1193, %select_n3A_1222 : i32
    %ne3A_1224 = arith.constant 0 : i32
    %ne3A_1225 = arith.cmpi ne, %rem3A_1223, %ne3A_1224 : i32
    %lt3A_1226 = arith.constant 0 : i32
    %lt3A_1227 = arith.cmpi slt, %rem3A_1223, %lt3A_1226 : i32
    %lt3A_1228 = arith.constant 0 : i32
    %lt3A_1229 = arith.cmpi slt, %select_n3A_1222, %lt3A_1228 : i32
    %ne3A_1230 = arith.xori %lt3A_1227, %lt3A_1229 : i1
    %and3A_1231 = arith.andi %ne3A_1230, %ne3A_1225 : i1
    %add3A_1232 = arith.addi %rem3A_1223, %select_n3A_1222 : i32
    %select_n3A_1233 = arith.select %and3A_1231, %add3A_1232, %rem3A_1223 : i32
    %dma_start3A_1234 = arith.constant 24576 : i32
    %dma_start3A_1235 = tpu.memref_slice %arg5[%dma_start3A_1234] : memref<25600xi32, #tpu.memory_space<vmem>> -> memref<1024xi32, #tpu.memory_space<vmem>>
    %dma_start3A_1236 = tpu.memref_slice %arg3[%select_n3A_1217, %select_n3A_1233] : memref<50x16384xi32, #tpu.memory_space<hbm>> -> memref<1x1024xi32, #tpu.memory_space<hbm>>
    %dma_start3A_1237 = tpu.memref_squeeze %dma_start3A_1236 : memref<1x1024xi32, #tpu.memory_space<hbm>> -> memref<1024xi32, #tpu.memory_space<hbm>>
    %dma_start3A_1238 = arith.constant 24576 : i32
    %dma_start3A_1239 = tpu.memref_slice %arg5[%dma_start3A_1238] : memref<25600xi32, #tpu.memory_space<vmem>> -> memref<1024xi32, #tpu.memory_space<vmem>>
    %dma_start3A_1240 = tpu.memref_slice %arg3[%select_n3A_1217, %select_n3A_1233] : memref<50x16384xi32, #tpu.memory_space<hbm>> -> memref<1x1024xi32, #tpu.memory_space<hbm>>
    %dma_start3A_1241 = tpu.memref_squeeze %dma_start3A_1240 : memref<1x1024xi32, #tpu.memory_space<hbm>> -> memref<1024xi32, #tpu.memory_space<hbm>>
    tpu.enqueue_dma source(%dma_start3A_1241 : memref<1024xi32, #tpu.memory_space<hbm>>) target(%dma_start3A_1239 : memref<1024xi32, #tpu.memory_space<vmem>>) target_semaphore(%arg7 : memref<!tpu.dma_semaphore, #tpu.memory_space<semaphore_mem>>)
    %dma_wait3A = arith.constant 0 : i32
    %dma_wait3A_1242 = tpu.memref_slice %arg5[%dma_wait3A] : memref<25600xi32, #tpu.memory_space<vmem>> -> memref<1024xi32, #tpu.memory_space<vmem>>
    %dma_wait3A_1243 = tpu.memref_slice %arg3[%select_n3A, %select_n3A_34] : memref<50x16384xi32, #tpu.memory_space<hbm>> -> memref<1x1024xi32, #tpu.memory_space<hbm>>
    %dma_wait3A_1244 = tpu.memref_squeeze %dma_wait3A_1243 : memref<1x1024xi32, #tpu.memory_space<hbm>> -> memref<1024xi32, #tpu.memory_space<hbm>>
    %dma_wait3A_1245 = arith.constant 0 : i32
    %dma_wait3A_1246 = tpu.memref_slice %arg5[%dma_wait3A_1245] : memref<25600xi32, #tpu.memory_space<vmem>> -> memref<1024xi32, #tpu.memory_space<vmem>>
    %dma_wait3A_1247 = tpu.memref_slice %arg3[%select_n3A, %select_n3A_34] : memref<50x16384xi32, #tpu.memory_space<hbm>> -> memref<1x1024xi32, #tpu.memory_space<hbm>>
    %dma_wait3A_1248 = tpu.memref_squeeze %dma_wait3A_1247 : memref<1x1024xi32, #tpu.memory_space<hbm>> -> memref<1024xi32, #tpu.memory_space<hbm>>
    tpu.wait_dma2 semaphore(%arg7 : memref<!tpu.dma_semaphore, #tpu.memory_space<semaphore_mem>>) src(%dma_wait3A_1248 : memref<1024xi32, #tpu.memory_space<hbm>>) dst(%dma_wait3A_1246 : memref<1024xi32, #tpu.memory_space<vmem>>)
    %dma_wait3A_1249 = arith.constant 1024 : i32
    %dma_wait3A_1250 = tpu.memref_slice %arg5[%dma_wait3A_1249] : memref<25600xi32, #tpu.memory_space<vmem>> -> memref<1024xi32, #tpu.memory_space<vmem>>
    %dma_wait3A_1251 = tpu.memref_slice %arg3[%select_n3A_67, %select_n3A_83] : memref<50x16384xi32, #tpu.memory_space<hbm>> -> memref<1x1024xi32, #tpu.memory_space<hbm>>
    %dma_wait3A_1252 = tpu.memref_squeeze %dma_wait3A_1251 : memref<1x1024xi32, #tpu.memory_space<hbm>> -> memref<1024xi32, #tpu.memory_space<hbm>>
    %dma_wait3A_1253 = arith.constant 1024 : i32
    %dma_wait3A_1254 = tpu.memref_slice %arg5[%dma_wait3A_1253] : memref<25600xi32, #tpu.memory_space<vmem>> -> memref<1024xi32, #tpu.memory_space<vmem>>
    %dma_wait3A_1255 = tpu.memref_slice %arg3[%select_n3A_67, %select_n3A_83] : memref<50x16384xi32, #tpu.memory_space<hbm>> -> memref<1x1024xi32, #tpu.memory_space<hbm>>
    %dma_wait3A_1256 = tpu.memref_squeeze %dma_wait3A_1255 : memref<1x1024xi32, #tpu.memory_space<hbm>> -> memref<1024xi32, #tpu.memory_space<hbm>>
    tpu.wait_dma2 semaphore(%arg7 : memref<!tpu.dma_semaphore, #tpu.memory_space<semaphore_mem>>) src(%dma_wait3A_1256 : memref<1024xi32, #tpu.memory_space<hbm>>) dst(%dma_wait3A_1254 : memref<1024xi32, #tpu.memory_space<vmem>>)
    %dma_wait3A_1257 = arith.constant 2048 : i32
    %dma_wait3A_1258 = tpu.memref_slice %arg5[%dma_wait3A_1257] : memref<25600xi32, #tpu.memory_space<vmem>> -> memref<1024xi32, #tpu.memory_space<vmem>>
    %dma_wait3A_1259 = tpu.memref_slice %arg3[%select_n3A_117, %select_n3A_133] : memref<50x16384xi32, #tpu.memory_space<hbm>> -> memref<1x1024xi32, #tpu.memory_space<hbm>>
    %dma_wait3A_1260 = tpu.memref_squeeze %dma_wait3A_1259 : memref<1x1024xi32, #tpu.memory_space<hbm>> -> memref<1024xi32, #tpu.memory_space<hbm>>
    %dma_wait3A_1261 = arith.constant 2048 : i32
    %dma_wait3A_1262 = tpu.memref_slice %arg5[%dma_wait3A_1261] : memref<25600xi32, #tpu.memory_space<vmem>> -> memref<1024xi32, #tpu.memory_space<vmem>>
    %dma_wait3A_1263 = tpu.memref_slice %arg3[%select_n3A_117, %select_n3A_133] : memref<50x16384xi32, #tpu.memory_space<hbm>> -> memref<1x1024xi32, #tpu.memory_space<hbm>>
    %dma_wait3A_1264 = tpu.memref_squeeze %dma_wait3A_1263 : memref<1x1024xi32, #tpu.memory_space<hbm>> -> memref<1024xi32, #tpu.memory_space<hbm>>
    tpu.wait_dma2 semaphore(%arg7 : memref<!tpu.dma_semaphore, #tpu.memory_space<semaphore_mem>>) src(%dma_wait3A_1264 : memref<1024xi32, #tpu.memory_space<hbm>>) dst(%dma_wait3A_1262 : memref<1024xi32, #tpu.memory_space<vmem>>)
    %dma_wait3A_1265 = arith.constant 3072 : i32
    %dma_wait3A_1266 = tpu.memref_slice %arg5[%dma_wait3A_1265] : memref<25600xi32, #tpu.memory_space<vmem>> -> memref<1024xi32, #tpu.memory_space<vmem>>
    %dma_wait3A_1267 = tpu.memref_slice %arg3[%select_n3A_167, %select_n3A_183] : memref<50x16384xi32, #tpu.memory_space<hbm>> -> memref<1x1024xi32, #tpu.memory_space<hbm>>
    %dma_wait3A_1268 = tpu.memref_squeeze %dma_wait3A_1267 : memref<1x1024xi32, #tpu.memory_space<hbm>> -> memref<1024xi32, #tpu.memory_space<hbm>>
    %dma_wait3A_1269 = arith.constant 3072 : i32
    %dma_wait3A_1270 = tpu.memref_slice %arg5[%dma_wait3A_1269] : memref<25600xi32, #tpu.memory_space<vmem>> -> memref<1024xi32, #tpu.memory_space<vmem>>
    %dma_wait3A_1271 = tpu.memref_slice %arg3[%select_n3A_167, %select_n3A_183] : memref<50x16384xi32, #tpu.memory_space<hbm>> -> memref<1x1024xi32, #tpu.memory_space<hbm>>
    %dma_wait3A_1272 = tpu.memref_squeeze %dma_wait3A_1271 : memref<1x1024xi32, #tpu.memory_space<hbm>> -> memref<1024xi32, #tpu.memory_space<hbm>>
    tpu.wait_dma2 semaphore(%arg7 : memref<!tpu.dma_semaphore, #tpu.memory_space<semaphore_mem>>) src(%dma_wait3A_1272 : memref<1024xi32, #tpu.memory_space<hbm>>) dst(%dma_wait3A_1270 : memref<1024xi32, #tpu.memory_space<vmem>>)
    %dma_wait3A_1273 = arith.constant 4096 : i32
    %dma_wait3A_1274 = tpu.memref_slice %arg5[%dma_wait3A_1273] : memref<25600xi32, #tpu.memory_space<vmem>> -> memref<1024xi32, #tpu.memory_space<vmem>>
    %dma_wait3A_1275 = tpu.memref_slice %arg3[%select_n3A_217, %select_n3A_233] : memref<50x16384xi32, #tpu.memory_space<hbm>> -> memref<1x1024xi32, #tpu.memory_space<hbm>>
    %dma_wait3A_1276 = tpu.memref_squeeze %dma_wait3A_1275 : memref<1x1024xi32, #tpu.memory_space<hbm>> -> memref<1024xi32, #tpu.memory_space<hbm>>
    %dma_wait3A_1277 = arith.constant 4096 : i32
    %dma_wait3A_1278 = tpu.memref_slice %arg5[%dma_wait3A_1277] : memref<25600xi32, #tpu.memory_space<vmem>> -> memref<1024xi32, #tpu.memory_space<vmem>>
    %dma_wait3A_1279 = tpu.memref_slice %arg3[%select_n3A_217, %select_n3A_233] : memref<50x16384xi32, #tpu.memory_space<hbm>> -> memref<1x1024xi32, #tpu.memory_space<hbm>>
    %dma_wait3A_1280 = tpu.memref_squeeze %dma_wait3A_1279 : memref<1x1024xi32, #tpu.memory_space<hbm>> -> memref<1024xi32, #tpu.memory_space<hbm>>
    tpu.wait_dma2 semaphore(%arg7 : memref<!tpu.dma_semaphore, #tpu.memory_space<semaphore_mem>>) src(%dma_wait3A_1280 : memref<1024xi32, #tpu.memory_space<hbm>>) dst(%dma_wait3A_1278 : memref<1024xi32, #tpu.memory_space<vmem>>)
    %dma_wait3A_1281 = arith.constant 5120 : i32
    %dma_wait3A_1282 = tpu.memref_slice %arg5[%dma_wait3A_1281] : memref<25600xi32, #tpu.memory_space<vmem>> -> memref<1024xi32, #tpu.memory_space<vmem>>
    %dma_wait3A_1283 = tpu.memref_slice %arg3[%select_n3A_267, %select_n3A_283] : memref<50x16384xi32, #tpu.memory_space<hbm>> -> memref<1x1024xi32, #tpu.memory_space<hbm>>
    %dma_wait3A_1284 = tpu.memref_squeeze %dma_wait3A_1283 : memref<1x1024xi32, #tpu.memory_space<hbm>> -> memref<1024xi32, #tpu.memory_space<hbm>>
    %dma_wait3A_1285 = arith.constant 5120 : i32
    %dma_wait3A_1286 = tpu.memref_slice %arg5[%dma_wait3A_1285] : memref<25600xi32, #tpu.memory_space<vmem>> -> memref<1024xi32, #tpu.memory_space<vmem>>
    %dma_wait3A_1287 = tpu.memref_slice %arg3[%select_n3A_267, %select_n3A_283] : memref<50x16384xi32, #tpu.memory_space<hbm>> -> memref<1x1024xi32, #tpu.memory_space<hbm>>
    %dma_wait3A_1288 = tpu.memref_squeeze %dma_wait3A_1287 : memref<1x1024xi32, #tpu.memory_space<hbm>> -> memref<1024xi32, #tpu.memory_space<hbm>>
    tpu.wait_dma2 semaphore(%arg7 : memref<!tpu.dma_semaphore, #tpu.memory_space<semaphore_mem>>) src(%dma_wait3A_1288 : memref<1024xi32, #tpu.memory_space<hbm>>) dst(%dma_wait3A_1286 : memref<1024xi32, #tpu.memory_space<vmem>>)
    %dma_wait3A_1289 = arith.constant 6144 : i32
    %dma_wait3A_1290 = tpu.memref_slice %arg5[%dma_wait3A_1289] : memref<25600xi32, #tpu.memory_space<vmem>> -> memref<1024xi32, #tpu.memory_space<vmem>>
    %dma_wait3A_1291 = tpu.memref_slice %arg3[%select_n3A_317, %select_n3A_333] : memref<50x16384xi32, #tpu.memory_space<hbm>> -> memref<1x1024xi32, #tpu.memory_space<hbm>>
    %dma_wait3A_1292 = tpu.memref_squeeze %dma_wait3A_1291 : memref<1x1024xi32, #tpu.memory_space<hbm>> -> memref<1024xi32, #tpu.memory_space<hbm>>
    %dma_wait3A_1293 = arith.constant 6144 : i32
    %dma_wait3A_1294 = tpu.memref_slice %arg5[%dma_wait3A_1293] : memref<25600xi32, #tpu.memory_space<vmem>> -> memref<1024xi32, #tpu.memory_space<vmem>>
    %dma_wait3A_1295 = tpu.memref_slice %arg3[%select_n3A_317, %select_n3A_333] : memref<50x16384xi32, #tpu.memory_space<hbm>> -> memref<1x1024xi32, #tpu.memory_space<hbm>>
    %dma_wait3A_1296 = tpu.memref_squeeze %dma_wait3A_1295 : memref<1x1024xi32, #tpu.memory_space<hbm>> -> memref<1024xi32, #tpu.memory_space<hbm>>
    tpu.wait_dma2 semaphore(%arg7 : memref<!tpu.dma_semaphore, #tpu.memory_space<semaphore_mem>>) src(%dma_wait3A_1296 : memref<1024xi32, #tpu.memory_space<hbm>>) dst(%dma_wait3A_1294 : memref<1024xi32, #tpu.memory_space<vmem>>)
    %dma_wait3A_1297 = arith.constant 7168 : i32
    %dma_wait3A_1298 = tpu.memref_slice %arg5[%dma_wait3A_1297] : memref<25600xi32, #tpu.memory_space<vmem>> -> memref<1024xi32, #tpu.memory_space<vmem>>
    %dma_wait3A_1299 = tpu.memref_slice %arg3[%select_n3A_367, %select_n3A_383] : memref<50x16384xi32, #tpu.memory_space<hbm>> -> memref<1x1024xi32, #tpu.memory_space<hbm>>
    %dma_wait3A_1300 = tpu.memref_squeeze %dma_wait3A_1299 : memref<1x1024xi32, #tpu.memory_space<hbm>> -> memref<1024xi32, #tpu.memory_space<hbm>>
    %dma_wait3A_1301 = arith.constant 7168 : i32
    %dma_wait3A_1302 = tpu.memref_slice %arg5[%dma_wait3A_1301] : memref<25600xi32, #tpu.memory_space<vmem>> -> memref<1024xi32, #tpu.memory_space<vmem>>
    %dma_wait3A_1303 = tpu.memref_slice %arg3[%select_n3A_367, %select_n3A_383] : memref<50x16384xi32, #tpu.memory_space<hbm>> -> memref<1x1024xi32, #tpu.memory_space<hbm>>
    %dma_wait3A_1304 = tpu.memref_squeeze %dma_wait3A_1303 : memref<1x1024xi32, #tpu.memory_space<hbm>> -> memref<1024xi32, #tpu.memory_space<hbm>>
    tpu.wait_dma2 semaphore(%arg7 : memref<!tpu.dma_semaphore, #tpu.memory_space<semaphore_mem>>) src(%dma_wait3A_1304 : memref<1024xi32, #tpu.memory_space<hbm>>) dst(%dma_wait3A_1302 : memref<1024xi32, #tpu.memory_space<vmem>>)
    %dma_wait3A_1305 = arith.constant 8192 : i32
    %dma_wait3A_1306 = tpu.memref_slice %arg5[%dma_wait3A_1305] : memref<25600xi32, #tpu.memory_space<vmem>> -> memref<1024xi32, #tpu.memory_space<vmem>>
    %dma_wait3A_1307 = tpu.memref_slice %arg3[%select_n3A_417, %select_n3A_433] : memref<50x16384xi32, #tpu.memory_space<hbm>> -> memref<1x1024xi32, #tpu.memory_space<hbm>>
    %dma_wait3A_1308 = tpu.memref_squeeze %dma_wait3A_1307 : memref<1x1024xi32, #tpu.memory_space<hbm>> -> memref<1024xi32, #tpu.memory_space<hbm>>
    %dma_wait3A_1309 = arith.constant 8192 : i32
    %dma_wait3A_1310 = tpu.memref_slice %arg5[%dma_wait3A_1309] : memref<25600xi32, #tpu.memory_space<vmem>> -> memref<1024xi32, #tpu.memory_space<vmem>>
    %dma_wait3A_1311 = tpu.memref_slice %arg3[%select_n3A_417, %select_n3A_433] : memref<50x16384xi32, #tpu.memory_space<hbm>> -> memref<1x1024xi32, #tpu.memory_space<hbm>>
    %dma_wait3A_1312 = tpu.memref_squeeze %dma_wait3A_1311 : memref<1x1024xi32, #tpu.memory_space<hbm>> -> memref<1024xi32, #tpu.memory_space<hbm>>
    tpu.wait_dma2 semaphore(%arg7 : memref<!tpu.dma_semaphore, #tpu.memory_space<semaphore_mem>>) src(%dma_wait3A_1312 : memref<1024xi32, #tpu.memory_space<hbm>>) dst(%dma_wait3A_1310 : memref<1024xi32, #tpu.memory_space<vmem>>)
    %dma_wait3A_1313 = arith.constant 9216 : i32
    %dma_wait3A_1314 = tpu.memref_slice %arg5[%dma_wait3A_1313] : memref<25600xi32, #tpu.memory_space<vmem>> -> memref<1024xi32, #tpu.memory_space<vmem>>
    %dma_wait3A_1315 = tpu.memref_slice %arg3[%select_n3A_467, %select_n3A_483] : memref<50x16384xi32, #tpu.memory_space<hbm>> -> memref<1x1024xi32, #tpu.memory_space<hbm>>
    %dma_wait3A_1316 = tpu.memref_squeeze %dma_wait3A_1315 : memref<1x1024xi32, #tpu.memory_space<hbm>> -> memref<1024xi32, #tpu.memory_space<hbm>>
    %dma_wait3A_1317 = arith.constant 9216 : i32
    %dma_wait3A_1318 = tpu.memref_slice %arg5[%dma_wait3A_1317] : memref<25600xi32, #tpu.memory_space<vmem>> -> memref<1024xi32, #tpu.memory_space<vmem>>
    %dma_wait3A_1319 = tpu.memref_slice %arg3[%select_n3A_467, %select_n3A_483] : memref<50x16384xi32, #tpu.memory_space<hbm>> -> memref<1x1024xi32, #tpu.memory_space<hbm>>
    %dma_wait3A_1320 = tpu.memref_squeeze %dma_wait3A_1319 : memref<1x1024xi32, #tpu.memory_space<hbm>> -> memref<1024xi32, #tpu.memory_space<hbm>>
    tpu.wait_dma2 semaphore(%arg7 : memref<!tpu.dma_semaphore, #tpu.memory_space<semaphore_mem>>) src(%dma_wait3A_1320 : memref<1024xi32, #tpu.memory_space<hbm>>) dst(%dma_wait3A_1318 : memref<1024xi32, #tpu.memory_space<vmem>>)
    %dma_wait3A_1321 = arith.constant 10240 : i32
    %dma_wait3A_1322 = tpu.memref_slice %arg5[%dma_wait3A_1321] : memref<25600xi32, #tpu.memory_space<vmem>> -> memref<1024xi32, #tpu.memory_space<vmem>>
    %dma_wait3A_1323 = tpu.memref_slice %arg3[%select_n3A_517, %select_n3A_533] : memref<50x16384xi32, #tpu.memory_space<hbm>> -> memref<1x1024xi32, #tpu.memory_space<hbm>>
    %dma_wait3A_1324 = tpu.memref_squeeze %dma_wait3A_1323 : memref<1x1024xi32, #tpu.memory_space<hbm>> -> memref<1024xi32, #tpu.memory_space<hbm>>
    %dma_wait3A_1325 = arith.constant 10240 : i32
    %dma_wait3A_1326 = tpu.memref_slice %arg5[%dma_wait3A_1325] : memref<25600xi32, #tpu.memory_space<vmem>> -> memref<1024xi32, #tpu.memory_space<vmem>>
    %dma_wait3A_1327 = tpu.memref_slice %arg3[%select_n3A_517, %select_n3A_533] : memref<50x16384xi32, #tpu.memory_space<hbm>> -> memref<1x1024xi32, #tpu.memory_space<hbm>>
    %dma_wait3A_1328 = tpu.memref_squeeze %dma_wait3A_1327 : memref<1x1024xi32, #tpu.memory_space<hbm>> -> memref<1024xi32, #tpu.memory_space<hbm>>
    tpu.wait_dma2 semaphore(%arg7 : memref<!tpu.dma_semaphore, #tpu.memory_space<semaphore_mem>>) src(%dma_wait3A_1328 : memref<1024xi32, #tpu.memory_space<hbm>>) dst(%dma_wait3A_1326 : memref<1024xi32, #tpu.memory_space<vmem>>)
    %dma_wait3A_1329 = arith.constant 11264 : i32
    %dma_wait3A_1330 = tpu.memref_slice %arg5[%dma_wait3A_1329] : memref<25600xi32, #tpu.memory_space<vmem>> -> memref<1024xi32, #tpu.memory_space<vmem>>
    %dma_wait3A_1331 = tpu.memref_slice %arg3[%select_n3A_567, %select_n3A_583] : memref<50x16384xi32, #tpu.memory_space<hbm>> -> memref<1x1024xi32, #tpu.memory_space<hbm>>
    %dma_wait3A_1332 = tpu.memref_squeeze %dma_wait3A_1331 : memref<1x1024xi32, #tpu.memory_space<hbm>> -> memref<1024xi32, #tpu.memory_space<hbm>>
    %dma_wait3A_1333 = arith.constant 11264 : i32
    %dma_wait3A_1334 = tpu.memref_slice %arg5[%dma_wait3A_1333] : memref<25600xi32, #tpu.memory_space<vmem>> -> memref<1024xi32, #tpu.memory_space<vmem>>
    %dma_wait3A_1335 = tpu.memref_slice %arg3[%select_n3A_567, %select_n3A_583] : memref<50x16384xi32, #tpu.memory_space<hbm>> -> memref<1x1024xi32, #tpu.memory_space<hbm>>
    %dma_wait3A_1336 = tpu.memref_squeeze %dma_wait3A_1335 : memref<1x1024xi32, #tpu.memory_space<hbm>> -> memref<1024xi32, #tpu.memory_space<hbm>>
    tpu.wait_dma2 semaphore(%arg7 : memref<!tpu.dma_semaphore, #tpu.memory_space<semaphore_mem>>) src(%dma_wait3A_1336 : memref<1024xi32, #tpu.memory_space<hbm>>) dst(%dma_wait3A_1334 : memref<1024xi32, #tpu.memory_space<vmem>>)
    %dma_wait3A_1337 = arith.constant 12288 : i32
    %dma_wait3A_1338 = tpu.memref_slice %arg5[%dma_wait3A_1337] : memref<25600xi32, #tpu.memory_space<vmem>> -> memref<1024xi32, #tpu.memory_space<vmem>>
    %dma_wait3A_1339 = tpu.memref_slice %arg3[%select_n3A_617, %select_n3A_633] : memref<50x16384xi32, #tpu.memory_space<hbm>> -> memref<1x1024xi32, #tpu.memory_space<hbm>>
    %dma_wait3A_1340 = tpu.memref_squeeze %dma_wait3A_1339 : memref<1x1024xi32, #tpu.memory_space<hbm>> -> memref<1024xi32, #tpu.memory_space<hbm>>
    %dma_wait3A_1341 = arith.constant 12288 : i32
    %dma_wait3A_1342 = tpu.memref_slice %arg5[%dma_wait3A_1341] : memref<25600xi32, #tpu.memory_space<vmem>> -> memref<1024xi32, #tpu.memory_space<vmem>>
    %dma_wait3A_1343 = tpu.memref_slice %arg3[%select_n3A_617, %select_n3A_633] : memref<50x16384xi32, #tpu.memory_space<hbm>> -> memref<1x1024xi32, #tpu.memory_space<hbm>>
    %dma_wait3A_1344 = tpu.memref_squeeze %dma_wait3A_1343 : memref<1x1024xi32, #tpu.memory_space<hbm>> -> memref<1024xi32, #tpu.memory_space<hbm>>
    tpu.wait_dma2 semaphore(%arg7 : memref<!tpu.dma_semaphore, #tpu.memory_space<semaphore_mem>>) src(%dma_wait3A_1344 : memref<1024xi32, #tpu.memory_space<hbm>>) dst(%dma_wait3A_1342 : memref<1024xi32, #tpu.memory_space<vmem>>)
    %dma_wait3A_1345 = arith.constant 13312 : i32
    %dma_wait3A_1346 = tpu.memref_slice %arg5[%dma_wait3A_1345] : memref<25600xi32, #tpu.memory_space<vmem>> -> memref<1024xi32, #tpu.memory_space<vmem>>
    %dma_wait3A_1347 = tpu.memref_slice %arg3[%select_n3A_667, %select_n3A_683] : memref<50x16384xi32, #tpu.memory_space<hbm>> -> memref<1x1024xi32, #tpu.memory_space<hbm>>
    %dma_wait3A_1348 = tpu.memref_squeeze %dma_wait3A_1347 : memref<1x1024xi32, #tpu.memory_space<hbm>> -> memref<1024xi32, #tpu.memory_space<hbm>>
    %dma_wait3A_1349 = arith.constant 13312 : i32
    %dma_wait3A_1350 = tpu.memref_slice %arg5[%dma_wait3A_1349] : memref<25600xi32, #tpu.memory_space<vmem>> -> memref<1024xi32, #tpu.memory_space<vmem>>
    %dma_wait3A_1351 = tpu.memref_slice %arg3[%select_n3A_667, %select_n3A_683] : memref<50x16384xi32, #tpu.memory_space<hbm>> -> memref<1x1024xi32, #tpu.memory_space<hbm>>
    %dma_wait3A_1352 = tpu.memref_squeeze %dma_wait3A_1351 : memref<1x1024xi32, #tpu.memory_space<hbm>> -> memref<1024xi32, #tpu.memory_space<hbm>>
    tpu.wait_dma2 semaphore(%arg7 : memref<!tpu.dma_semaphore, #tpu.memory_space<semaphore_mem>>) src(%dma_wait3A_1352 : memref<1024xi32, #tpu.memory_space<hbm>>) dst(%dma_wait3A_1350 : memref<1024xi32, #tpu.memory_space<vmem>>)
    %dma_wait3A_1353 = arith.constant 14336 : i32
    %dma_wait3A_1354 = tpu.memref_slice %arg5[%dma_wait3A_1353] : memref<25600xi32, #tpu.memory_space<vmem>> -> memref<1024xi32, #tpu.memory_space<vmem>>
    %dma_wait3A_1355 = tpu.memref_slice %arg3[%select_n3A_717, %select_n3A_733] : memref<50x16384xi32, #tpu.memory_space<hbm>> -> memref<1x1024xi32, #tpu.memory_space<hbm>>
    %dma_wait3A_1356 = tpu.memref_squeeze %dma_wait3A_1355 : memref<1x1024xi32, #tpu.memory_space<hbm>> -> memref<1024xi32, #tpu.memory_space<hbm>>
    %dma_wait3A_1357 = arith.constant 14336 : i32
    %dma_wait3A_1358 = tpu.memref_slice %arg5[%dma_wait3A_1357] : memref<25600xi32, #tpu.memory_space<vmem>> -> memref<1024xi32, #tpu.memory_space<vmem>>
    %dma_wait3A_1359 = tpu.memref_slice %arg3[%select_n3A_717, %select_n3A_733] : memref<50x16384xi32, #tpu.memory_space<hbm>> -> memref<1x1024xi32, #tpu.memory_space<hbm>>
    %dma_wait3A_1360 = tpu.memref_squeeze %dma_wait3A_1359 : memref<1x1024xi32, #tpu.memory_space<hbm>> -> memref<1024xi32, #tpu.memory_space<hbm>>
    tpu.wait_dma2 semaphore(%arg7 : memref<!tpu.dma_semaphore, #tpu.memory_space<semaphore_mem>>) src(%dma_wait3A_1360 : memref<1024xi32, #tpu.memory_space<hbm>>) dst(%dma_wait3A_1358 : memref<1024xi32, #tpu.memory_space<vmem>>)
    %dma_wait3A_1361 = arith.constant 15360 : i32
    %dma_wait3A_1362 = tpu.memref_slice %arg5[%dma_wait3A_1361] : memref<25600xi32, #tpu.memory_space<vmem>> -> memref<1024xi32, #tpu.memory_space<vmem>>
    %dma_wait3A_1363 = tpu.memref_slice %arg3[%select_n3A_767, %select_n3A_783] : memref<50x16384xi32, #tpu.memory_space<hbm>> -> memref<1x1024xi32, #tpu.memory_space<hbm>>
    %dma_wait3A_1364 = tpu.memref_squeeze %dma_wait3A_1363 : memref<1x1024xi32, #tpu.memory_space<hbm>> -> memref<1024xi32, #tpu.memory_space<hbm>>
    %dma_wait3A_1365 = arith.constant 15360 : i32
    %dma_wait3A_1366 = tpu.memref_slice %arg5[%dma_wait3A_1365] : memref<25600xi32, #tpu.memory_space<vmem>> -> memref<1024xi32, #tpu.memory_space<vmem>>
    %dma_wait3A_1367 = tpu.memref_slice %arg3[%select_n3A_767, %select_n3A_783] : memref<50x16384xi32, #tpu.memory_space<hbm>> -> memref<1x1024xi32, #tpu.memory_space<hbm>>
    %dma_wait3A_1368 = tpu.memref_squeeze %dma_wait3A_1367 : memref<1x1024xi32, #tpu.memory_space<hbm>> -> memref<1024xi32, #tpu.memory_space<hbm>>
    tpu.wait_dma2 semaphore(%arg7 : memref<!tpu.dma_semaphore, #tpu.memory_space<semaphore_mem>>) src(%dma_wait3A_1368 : memref<1024xi32, #tpu.memory_space<hbm>>) dst(%dma_wait3A_1366 : memref<1024xi32, #tpu.memory_space<vmem>>)
    %dma_wait3A_1369 = arith.constant 16384 : i32
    %dma_wait3A_1370 = tpu.memref_slice %arg5[%dma_wait3A_1369] : memref<25600xi32, #tpu.memory_space<vmem>> -> memref<1024xi32, #tpu.memory_space<vmem>>
    %dma_wait3A_1371 = tpu.memref_slice %arg3[%select_n3A_817, %select_n3A_833] : memref<50x16384xi32, #tpu.memory_space<hbm>> -> memref<1x1024xi32, #tpu.memory_space<hbm>>
    %dma_wait3A_1372 = tpu.memref_squeeze %dma_wait3A_1371 : memref<1x1024xi32, #tpu.memory_space<hbm>> -> memref<1024xi32, #tpu.memory_space<hbm>>
    %dma_wait3A_1373 = arith.constant 16384 : i32
    %dma_wait3A_1374 = tpu.memref_slice %arg5[%dma_wait3A_1373] : memref<25600xi32, #tpu.memory_space<vmem>> -> memref<1024xi32, #tpu.memory_space<vmem>>
    %dma_wait3A_1375 = tpu.memref_slice %arg3[%select_n3A_817, %select_n3A_833] : memref<50x16384xi32, #tpu.memory_space<hbm>> -> memref<1x1024xi32, #tpu.memory_space<hbm>>
    %dma_wait3A_1376 = tpu.memref_squeeze %dma_wait3A_1375 : memref<1x1024xi32, #tpu.memory_space<hbm>> -> memref<1024xi32, #tpu.memory_space<hbm>>
    tpu.wait_dma2 semaphore(%arg7 : memref<!tpu.dma_semaphore, #tpu.memory_space<semaphore_mem>>) src(%dma_wait3A_1376 : memref<1024xi32, #tpu.memory_space<hbm>>) dst(%dma_wait3A_1374 : memref<1024xi32, #tpu.memory_space<vmem>>)
    %dma_wait3A_1377 = arith.constant 17408 : i32
    %dma_wait3A_1378 = tpu.memref_slice %arg5[%dma_wait3A_1377] : memref<25600xi32, #tpu.memory_space<vmem>> -> memref<1024xi32, #tpu.memory_space<vmem>>
    %dma_wait3A_1379 = tpu.memref_slice %arg3[%select_n3A_867, %select_n3A_883] : memref<50x16384xi32, #tpu.memory_space<hbm>> -> memref<1x1024xi32, #tpu.memory_space<hbm>>
    %dma_wait3A_1380 = tpu.memref_squeeze %dma_wait3A_1379 : memref<1x1024xi32, #tpu.memory_space<hbm>> -> memref<1024xi32, #tpu.memory_space<hbm>>
    %dma_wait3A_1381 = arith.constant 17408 : i32
    %dma_wait3A_1382 = tpu.memref_slice %arg5[%dma_wait3A_1381] : memref<25600xi32, #tpu.memory_space<vmem>> -> memref<1024xi32, #tpu.memory_space<vmem>>
    %dma_wait3A_1383 = tpu.memref_slice %arg3[%select_n3A_867, %select_n3A_883] : memref<50x16384xi32, #tpu.memory_space<hbm>> -> memref<1x1024xi32, #tpu.memory_space<hbm>>
    %dma_wait3A_1384 = tpu.memref_squeeze %dma_wait3A_1383 : memref<1x1024xi32, #tpu.memory_space<hbm>> -> memref<1024xi32, #tpu.memory_space<hbm>>
    tpu.wait_dma2 semaphore(%arg7 : memref<!tpu.dma_semaphore, #tpu.memory_space<semaphore_mem>>) src(%dma_wait3A_1384 : memref<1024xi32, #tpu.memory_space<hbm>>) dst(%dma_wait3A_1382 : memref<1024xi32, #tpu.memory_space<vmem>>)
    %dma_wait3A_1385 = arith.constant 18432 : i32
    %dma_wait3A_1386 = tpu.memref_slice %arg5[%dma_wait3A_1385] : memref<25600xi32, #tpu.memory_space<vmem>> -> memref<1024xi32, #tpu.memory_space<vmem>>
    %dma_wait3A_1387 = tpu.memref_slice %arg3[%select_n3A_917, %select_n3A_933] : memref<50x16384xi32, #tpu.memory_space<hbm>> -> memref<1x1024xi32, #tpu.memory_space<hbm>>
    %dma_wait3A_1388 = tpu.memref_squeeze %dma_wait3A_1387 : memref<1x1024xi32, #tpu.memory_space<hbm>> -> memref<1024xi32, #tpu.memory_space<hbm>>
    %dma_wait3A_1389 = arith.constant 18432 : i32
    %dma_wait3A_1390 = tpu.memref_slice %arg5[%dma_wait3A_1389] : memref<25600xi32, #tpu.memory_space<vmem>> -> memref<1024xi32, #tpu.memory_space<vmem>>
    %dma_wait3A_1391 = tpu.memref_slice %arg3[%select_n3A_917, %select_n3A_933] : memref<50x16384xi32, #tpu.memory_space<hbm>> -> memref<1x1024xi32, #tpu.memory_space<hbm>>
    %dma_wait3A_1392 = tpu.memref_squeeze %dma_wait3A_1391 : memref<1x1024xi32, #tpu.memory_space<hbm>> -> memref<1024xi32, #tpu.memory_space<hbm>>
    tpu.wait_dma2 semaphore(%arg7 : memref<!tpu.dma_semaphore, #tpu.memory_space<semaphore_mem>>) src(%dma_wait3A_1392 : memref<1024xi32, #tpu.memory_space<hbm>>) dst(%dma_wait3A_1390 : memref<1024xi32, #tpu.memory_space<vmem>>)
    %dma_wait3A_1393 = arith.constant 19456 : i32
    %dma_wait3A_1394 = tpu.memref_slice %arg5[%dma_wait3A_1393] : memref<25600xi32, #tpu.memory_space<vmem>> -> memref<1024xi32, #tpu.memory_space<vmem>>
    %dma_wait3A_1395 = tpu.memref_slice %arg3[%select_n3A_967, %select_n3A_983] : memref<50x16384xi32, #tpu.memory_space<hbm>> -> memref<1x1024xi32, #tpu.memory_space<hbm>>
    %dma_wait3A_1396 = tpu.memref_squeeze %dma_wait3A_1395 : memref<1x1024xi32, #tpu.memory_space<hbm>> -> memref<1024xi32, #tpu.memory_space<hbm>>
    %dma_wait3A_1397 = arith.constant 19456 : i32
    %dma_wait3A_1398 = tpu.memref_slice %arg5[%dma_wait3A_1397] : memref<25600xi32, #tpu.memory_space<vmem>> -> memref<1024xi32, #tpu.memory_space<vmem>>
    %dma_wait3A_1399 = tpu.memref_slice %arg3[%select_n3A_967, %select_n3A_983] : memref<50x16384xi32, #tpu.memory_space<hbm>> -> memref<1x1024xi32, #tpu.memory_space<hbm>>
    %dma_wait3A_1400 = tpu.memref_squeeze %dma_wait3A_1399 : memref<1x1024xi32, #tpu.memory_space<hbm>> -> memref<1024xi32, #tpu.memory_space<hbm>>
    tpu.wait_dma2 semaphore(%arg7 : memref<!tpu.dma_semaphore, #tpu.memory_space<semaphore_mem>>) src(%dma_wait3A_1400 : memref<1024xi32, #tpu.memory_space<hbm>>) dst(%dma_wait3A_1398 : memref<1024xi32, #tpu.memory_space<vmem>>)
    %dma_wait3A_1401 = arith.constant 20480 : i32
    %dma_wait3A_1402 = tpu.memref_slice %arg5[%dma_wait3A_1401] : memref<25600xi32, #tpu.memory_space<vmem>> -> memref<1024xi32, #tpu.memory_space<vmem>>
    %dma_wait3A_1403 = tpu.memref_slice %arg3[%select_n3A_1017, %select_n3A_1033] : memref<50x16384xi32, #tpu.memory_space<hbm>> -> memref<1x1024xi32, #tpu.memory_space<hbm>>
    %dma_wait3A_1404 = tpu.memref_squeeze %dma_wait3A_1403 : memref<1x1024xi32, #tpu.memory_space<hbm>> -> memref<1024xi32, #tpu.memory_space<hbm>>
    %dma_wait3A_1405 = arith.constant 20480 : i32
    %dma_wait3A_1406 = tpu.memref_slice %arg5[%dma_wait3A_1405] : memref<25600xi32, #tpu.memory_space<vmem>> -> memref<1024xi32, #tpu.memory_space<vmem>>
    %dma_wait3A_1407 = tpu.memref_slice %arg3[%select_n3A_1017, %select_n3A_1033] : memref<50x16384xi32, #tpu.memory_space<hbm>> -> memref<1x1024xi32, #tpu.memory_space<hbm>>
    %dma_wait3A_1408 = tpu.memref_squeeze %dma_wait3A_1407 : memref<1x1024xi32, #tpu.memory_space<hbm>> -> memref<1024xi32, #tpu.memory_space<hbm>>
    tpu.wait_dma2 semaphore(%arg7 : memref<!tpu.dma_semaphore, #tpu.memory_space<semaphore_mem>>) src(%dma_wait3A_1408 : memref<1024xi32, #tpu.memory_space<hbm>>) dst(%dma_wait3A_1406 : memref<1024xi32, #tpu.memory_space<vmem>>)
    %dma_wait3A_1409 = arith.constant 21504 : i32
    %dma_wait3A_1410 = tpu.memref_slice %arg5[%dma_wait3A_1409] : memref<25600xi32, #tpu.memory_space<vmem>> -> memref<1024xi32, #tpu.memory_space<vmem>>
    %dma_wait3A_1411 = tpu.memref_slice %arg3[%select_n3A_1067, %select_n3A_1083] : memref<50x16384xi32, #tpu.memory_space<hbm>> -> memref<1x1024xi32, #tpu.memory_space<hbm>>
    %dma_wait3A_1412 = tpu.memref_squeeze %dma_wait3A_1411 : memref<1x1024xi32, #tpu.memory_space<hbm>> -> memref<1024xi32, #tpu.memory_space<hbm>>
    %dma_wait3A_1413 = arith.constant 21504 : i32
    %dma_wait3A_1414 = tpu.memref_slice %arg5[%dma_wait3A_1413] : memref<25600xi32, #tpu.memory_space<vmem>> -> memref<1024xi32, #tpu.memory_space<vmem>>
    %dma_wait3A_1415 = tpu.memref_slice %arg3[%select_n3A_1067, %select_n3A_1083] : memref<50x16384xi32, #tpu.memory_space<hbm>> -> memref<1x1024xi32, #tpu.memory_space<hbm>>
    %dma_wait3A_1416 = tpu.memref_squeeze %dma_wait3A_1415 : memref<1x1024xi32, #tpu.memory_space<hbm>> -> memref<1024xi32, #tpu.memory_space<hbm>>
    tpu.wait_dma2 semaphore(%arg7 : memref<!tpu.dma_semaphore, #tpu.memory_space<semaphore_mem>>) src(%dma_wait3A_1416 : memref<1024xi32, #tpu.memory_space<hbm>>) dst(%dma_wait3A_1414 : memref<1024xi32, #tpu.memory_space<vmem>>)
    %dma_wait3A_1417 = arith.constant 22528 : i32
    %dma_wait3A_1418 = tpu.memref_slice %arg5[%dma_wait3A_1417] : memref<25600xi32, #tpu.memory_space<vmem>> -> memref<1024xi32, #tpu.memory_space<vmem>>
    %dma_wait3A_1419 = tpu.memref_slice %arg3[%select_n3A_1117, %select_n3A_1133] : memref<50x16384xi32, #tpu.memory_space<hbm>> -> memref<1x1024xi32, #tpu.memory_space<hbm>>
    %dma_wait3A_1420 = tpu.memref_squeeze %dma_wait3A_1419 : memref<1x1024xi32, #tpu.memory_space<hbm>> -> memref<1024xi32, #tpu.memory_space<hbm>>
    %dma_wait3A_1421 = arith.constant 22528 : i32
    %dma_wait3A_1422 = tpu.memref_slice %arg5[%dma_wait3A_1421] : memref<25600xi32, #tpu.memory_space<vmem>> -> memref<1024xi32, #tpu.memory_space<vmem>>
    %dma_wait3A_1423 = tpu.memref_slice %arg3[%select_n3A_1117, %select_n3A_1133] : memref<50x16384xi32, #tpu.memory_space<hbm>> -> memref<1x1024xi32, #tpu.memory_space<hbm>>
    %dma_wait3A_1424 = tpu.memref_squeeze %dma_wait3A_1423 : memref<1x1024xi32, #tpu.memory_space<hbm>> -> memref<1024xi32, #tpu.memory_space<hbm>>
    tpu.wait_dma2 semaphore(%arg7 : memref<!tpu.dma_semaphore, #tpu.memory_space<semaphore_mem>>) src(%dma_wait3A_1424 : memref<1024xi32, #tpu.memory_space<hbm>>) dst(%dma_wait3A_1422 : memref<1024xi32, #tpu.memory_space<vmem>>)
    %dma_wait3A_1425 = arith.constant 23552 : i32
    %dma_wait3A_1426 = tpu.memref_slice %arg5[%dma_wait3A_1425] : memref<25600xi32, #tpu.memory_space<vmem>> -> memref<1024xi32, #tpu.memory_space<vmem>>
    %dma_wait3A_1427 = tpu.memref_slice %arg3[%select_n3A_1167, %select_n3A_1183] : memref<50x16384xi32, #tpu.memory_space<hbm>> -> memref<1x1024xi32, #tpu.memory_space<hbm>>
    %dma_wait3A_1428 = tpu.memref_squeeze %dma_wait3A_1427 : memref<1x1024xi32, #tpu.memory_space<hbm>> -> memref<1024xi32, #tpu.memory_space<hbm>>
    %dma_wait3A_1429 = arith.constant 23552 : i32
    %dma_wait3A_1430 = tpu.memref_slice %arg5[%dma_wait3A_1429] : memref<25600xi32, #tpu.memory_space<vmem>> -> memref<1024xi32, #tpu.memory_space<vmem>>
    %dma_wait3A_1431 = tpu.memref_slice %arg3[%select_n3A_1167, %select_n3A_1183] : memref<50x16384xi32, #tpu.memory_space<hbm>> -> memref<1x1024xi32, #tpu.memory_space<hbm>>
    %dma_wait3A_1432 = tpu.memref_squeeze %dma_wait3A_1431 : memref<1x1024xi32, #tpu.memory_space<hbm>> -> memref<1024xi32, #tpu.memory_space<hbm>>
    tpu.wait_dma2 semaphore(%arg7 : memref<!tpu.dma_semaphore, #tpu.memory_space<semaphore_mem>>) src(%dma_wait3A_1432 : memref<1024xi32, #tpu.memory_space<hbm>>) dst(%dma_wait3A_1430 : memref<1024xi32, #tpu.memory_space<vmem>>)
    %dma_wait3A_1433 = arith.constant 24576 : i32
    %dma_wait3A_1434 = tpu.memref_slice %arg5[%dma_wait3A_1433] : memref<25600xi32, #tpu.memory_space<vmem>> -> memref<1024xi32, #tpu.memory_space<vmem>>
    %dma_wait3A_1435 = tpu.memref_slice %arg3[%select_n3A_1217, %select_n3A_1233] : memref<50x16384xi32, #tpu.memory_space<hbm>> -> memref<1x1024xi32, #tpu.memory_space<hbm>>
    %dma_wait3A_1436 = tpu.memref_squeeze %dma_wait3A_1435 : memref<1x1024xi32, #tpu.memory_space<hbm>> -> memref<1024xi32, #tpu.memory_space<hbm>>
    %dma_wait3A_1437 = arith.constant 24576 : i32
    %dma_wait3A_1438 = tpu.memref_slice %arg5[%dma_wait3A_1437] : memref<25600xi32, #tpu.memory_space<vmem>> -> memref<1024xi32, #tpu.memory_space<vmem>>
    %dma_wait3A_1439 = tpu.memref_slice %arg3[%select_n3A_1217, %select_n3A_1233] : memref<50x16384xi32, #tpu.memory_space<hbm>> -> memref<1x1024xi32, #tpu.memory_space<hbm>>
    %dma_wait3A_1440 = tpu.memref_squeeze %dma_wait3A_1439 : memref<1x1024xi32, #tpu.memory_space<hbm>> -> memref<1024xi32, #tpu.memory_space<hbm>>
    tpu.wait_dma2 semaphore(%arg7 : memref<!tpu.dma_semaphore, #tpu.memory_space<semaphore_mem>>) src(%dma_wait3A_1440 : memref<1024xi32, #tpu.memory_space<hbm>>) dst(%dma_wait3A_1438 : memref<1024xi32, #tpu.memory_space<vmem>>)
    %dma_start3A_1441 = arith.constant 0 : i32
    %dma_start3A_1442 = tpu.memref_slice %arg2[%dma_start3A_1441] : memref<1000000xf32, #tpu.memory_space<hbm>> -> memref<1000000xf32, #tpu.memory_space<hbm>>
    tpu.enqueue_indirect_dma source(%dma_start3A_1442 : memref<1000000xf32, #tpu.memory_space<hbm>>) target(%arg6 : memref<25600xf32, #tpu.memory_space<vmem>>) offsets(%arg5 : memref<25600xi32, #tpu.memory_space<vmem>>) semaphore(%arg7 : memref<!tpu.dma_semaphore, #tpu.memory_space<semaphore_mem>>)
    %dma_wait3A_1443 = arith.constant 0 : i32
    %dma_wait3A_1444 = tpu.memref_slice %arg2[%dma_wait3A_1443] : memref<1000000xf32, #tpu.memory_space<hbm>> -> memref<1000000xf32, #tpu.memory_space<hbm>>
    tpu.wait_indirect_dma semaphore(%arg7 : memref<!tpu.dma_semaphore, #tpu.memory_space<semaphore_mem>>) src(%dma_wait3A_1444 : memref<1000000xf32, #tpu.memory_space<hbm>>) dst(%arg6 : memref<25600xf32, #tpu.memory_space<vmem>>)
    "tpu.region"() ({
      %run_scoped3A = tpu.sem_alloc : memref<!tpu.dma_semaphore, #tpu.memory_space<semaphore_mem>>
      %dma_start3A_1445 = tpu.memref_slice %arg4[%mul3A_2] : memref<819200xf32, #tpu.memory_space<hbm>> -> memref<25600xf32, #tpu.memory_space<hbm>>
      %dma_start3A_1446 = tpu.memref_slice %arg4[%mul3A_2] : memref<819200xf32, #tpu.memory_space<hbm>> -> memref<25600xf32, #tpu.memory_space<hbm>>
      tpu.enqueue_dma source(%arg6 : memref<25600xf32, #tpu.memory_space<vmem>>) target(%dma_start3A_1446 : memref<25600xf32, #tpu.memory_space<hbm>>) target_semaphore(%run_scoped3A : memref<!tpu.dma_semaphore, #tpu.memory_space<semaphore_mem>>)
      %dma_wait3A_1447 = tpu.memref_slice %arg4[%mul3A_2] : memref<819200xf32, #tpu.memory_space<hbm>> -> memref<25600xf32, #tpu.memory_space<hbm>>
      %dma_wait3A_1448 = tpu.memref_slice %arg4[%mul3A_2] : memref<819200xf32, #tpu.memory_space<hbm>> -> memref<25600xf32, #tpu.memory_space<hbm>>
      tpu.wait_dma2 semaphore(%run_scoped3A : memref<!tpu.dma_semaphore, #tpu.memory_space<semaphore_mem>>) src(%arg6 : memref<25600xf32, #tpu.memory_space<vmem>>) dst(%dma_wait3A_1448 : memref<25600xf32, #tpu.memory_space<hbm>>)
      tpu.yield
    }) : () -> ()
    return
  }
}

module attributes {stable_mosaic.version = 14 : i64} {
  func.func @_matvec_body(%arg0: i32, %arg1: memref<1x64xf32, #tpu.memory_space<vmem>>, %arg2: memref<64x40960xf32, #tpu.memory_space<vmem>>, %arg3: memref<1x1xf32, #tpu.memory_space<vmem>>, %arg4: memref<40960xf32, #tpu.memory_space<vmem>>) attributes {dimension_semantics = [#tpu.dimension_semantics<arbitrary>], iteration_bounds = array<i64: 25>, scalar_prefetch = 0 : i64, scratch_operands = 0 : i64, tpu.core_type = #tpu.core_type<tc>, window_params = [{pipeline_mode = #tpu.pipeline_mode<synchronous>, transform_indices = @transform_0, window_bounds = array<i64: 1, 64>}, {transform_indices = @transform_1, window_bounds = array<i64: 64, 40960>}, {pipeline_mode = #tpu.pipeline_mode<synchronous>, transform_indices = @transform_2, window_bounds = array<i64: 1, 1>}, {transform_indices = @transform_3, window_bounds = array<i64: 40960>}]} {
    %get3A = arith.constant 0 : index
    %get3A_0 = arith.constant 0 : index
    %get3A_1 = vector.load %arg1[%get3A, %get3A_0] : memref<1x64xf32, #tpu.memory_space<vmem>>, vector<1x64xf32>
    %get3A_2 = arith.constant 0 : index
    %get3A_3 = arith.constant 0 : index
    %get3A_4 = vector.load %arg2[%get3A_2, %get3A_3] : memref<64x40960xf32, #tpu.memory_space<vmem>>, vector<64x40960xf32>
    %dot_general3A = arith.constant dense<0.000000e+00> : vector<1x40960xf32>
    %dot_general3A_5 = tpu.matmul %get3A_1, %get3A_4, %dot_general3A {dimension_numbers = #tpu.dot_dimension_numbers<[1], [0], [0], [1], [0, 0, 1, 1], [], []>, transpose_lhs_hint = false} : vector<1x64xf32>, vector<64x40960xf32>, vector<1x40960xf32> -> vector<1x40960xf32>
    %squeeze3A = vector.shape_cast %dot_general3A_5 : vector<1x40960xf32> to vector<40960xf32>
    %get3A_6 = arith.constant 0 : index
    %get3A_7 = arith.constant 0 : index
    %get3A_8 = vector.load %arg3[%get3A_6, %get3A_7] : memref<1x1xf32, #tpu.memory_space<vmem>>, vector<1x1xf32>
    %get3A_9 = vector.extract %get3A_8[0, 0] : f32 from vector<1x1xf32>
    %add3A = vector.broadcast %get3A_9 : f32 to vector<40960xf32>
    %add3A_10 = arith.addf %squeeze3A, %add3A : vector<40960xf32>
    %swap3A = arith.constant 0 : index
    %swap3A_11 = vector.load %arg4[%swap3A] : memref<40960xf32, #tpu.memory_space<vmem>>, vector<40960xf32>
    tpu.vector_store %arg4[%swap3A], %add3A_10 {strides = array<i32>} : memref<40960xf32, #tpu.memory_space<vmem>>, vector<40960xf32>,
    return
  }
  func.func @transform_0(%arg0: i32) -> (i32, i32) {
    %c0_i32 = arith.constant 0 : i32
    %c0_i32_0 = arith.constant 0 : i32
    %c0_i32_1 = arith.constant 0 : i32
    return %c0_i32, %c0_i32_0 : i32, i32
  }
  func.func @transform_1(%arg0: i32) -> (i32, i32) {
    %c0_i32 = arith.constant 0 : i32
    %c0_i32_0 = arith.constant 0 : i32
    return %c0_i32, %arg0 : i32, i32
  }
  func.func @transform_2(%arg0: i32) -> (i32, i32) {
    %c0_i32 = arith.constant 0 : i32
    %c0_i32_0 = arith.constant 0 : i32
    %c0_i32_1 = arith.constant 0 : i32
    return %c0_i32, %c0_i32_0 : i32, i32
  }
  func.func @transform_3(%arg0: i32) -> i32 {
    %c0_i32 = arith.constant 0 : i32
    return %arg0 : i32
  }
}

</mosaic_0001>

<sc_bundles>
// kernel: kernel.4.cloned.1.call-start
scs
__scs_entry_jumppad:
0x0: {  	(pc) =	sbr.rel $0x88, $3  }
0x1: {  	(tag) =	ssettag $0x0;
	lr =	simm.s32 $0x1  }
0x2: {  	[smem:$0x3F9D] =	sst lr;
	_ =	strace $0xD0000000  }
0x3: {  	_ = 	snop  }
0x4: {  	_ = 	snop  }
0x5: {  	_ = 	snop  }
0x6: {  	_ = 	snop  }
0x7: {  	_ = 	snop  }
__scs_overlays_trampoline_lowered:
0x8: {  	[smem:$0x3FAC] =	sst s0  }
0x9: {  	[smem:$0x3FAD] =	sst s1  }
0xa: {  	[smem:$0x3FAE] =	sst s2  }
0xb: {  	[smem:$0x3FAF] =	sst s3  }
0xc: {  	[smem:$0x3FB0] =	sst s4  }
0xd: {  	[smem:$0x3FB1] =	sst s5  }
0xe: {  	[smem:$0x3FB2] =	sst s6  }
0xf: {  	[smem:$0x3FB3] =	sst s7  }
0x10: {  	[smem:$0x3FB4] =	sst s8  }
0x11: {  	[smem:$0x3FB5] =	sst s9;
	s0 =	simm.s32 @!p0 $0x0  }
0x12: {  	s1 =	sld [smem:$0x3F9B];
	s0 =	simm.s32 @p0 $0x1  }
0x13: {  	[smem:$0x3FB6] =	sst s0;
	s0 =	simm.s32 @!p1 $0x0  }
0x14: {  	s2 =	sld [smem:$0x3F9A];
	s0 =	simm.s32 @p1 $0x1  }
0x15: {  	[smem:$0x3FB7] =	sst s0;
	s0 =	simm.s32 @!p2 $0x0  }
0x16: {  	s3 =	sld [smem:$0x3FDB];
	s0 =	simm.s32 @p2 $0x1  }
0x17: {  	s4 =	simm.s32 $0x1BF5;
	[smem:$0x3FB9] =	sst s0  }
0x18: {  	s0 =	sld [smem:$0x3F9C];
	_ =	swait.ge [sflag:s4], $0x0  }
0x19: {  	s7 =	sld [smem:$0x3F9D]  }
0x1a: {  	s8 =	sadd.s32 $0xFFFFE003, lr  }
0x1b: {  	s9 =	sadd.s32 $0xFFFFFEF7, lr;
	s5 =	simm.s32 $0xFFFFFFFF;
	p2 =	slt.u32 s8, $0xFFFFF086  }
0x1c: {  	p1 =	slt.u32 s9, $0xF7A;
	s5 =	simm.s32 @!p2 $0x0  }
0x1d: {  	s5 =	simm.s32 @p1 $0x1;
	p0 =	seq.s32 s7, s2  }
0x1e: {  	s7 =	smul.u32 @!p0 $0xF7A, s2;
	p2 =	seq.s32 @!p0 s5, $0x0  }
0x1f: {  	s9 =	smul.u32 $0xF7A, s1;
	s8 =	simm.s32 @!p0 $0x1BF5;
	p2 =	por !p2, p0  }
0x20: {  	[sflag:s8] =	ssyncset.s32 @!p0 $0xFFFFF086;
	s6 =	sadd.s32 @!p0 s3, s7;
	s7 =	simm.s32 @!p0 $0x108  }
0x21: {  	s3 =	sadd.s32 s3, s9;
	s6 =	sadd.s32 @!p0 $0x88, s6;
	s7 =	simm.s32 @p2 $0x1082  }
0x22: {  	[simem:s7], [sflag:s8] =	dma.local @!p0 [hbm:s6], $0xF7A  }
0x23: {  	s9 =	sor.u32 $0xD0000000, s2;
	s6 =	simm.s32 $0x108;
	_ =	swait.ge @!p0 [sflag:s8], $0x0  }
0x24: {  	s3 =	sadd.s32 $0x88, s3;
	s6 =	simm.s32 @!p1 $0x1082;
	[sflag:s4] =	ssyncset.s32 $0xFFFFF086  }
0x25: {  	[simem:s6], [sflag:s4] =	dma.local [hbm:s3], $0xF7A  }
0x26: {  	[smem:$0x3F9D] =	sst s1;
	(tag) =	ssettag s2;
	_ =	strace s9  }
0x27: {  	s1 =	sld [smem:$0x3FAD]  }
0x28: {  	s2 =	sld [smem:$0x3FAE]  }
0x29: {  	s4 =	sld [smem:$0x3FB0]  }
0x2a: {  	p0 =	seq.s32 s5, $0x0;
	s5 =	sld [smem:$0x3FB1]  }
0x2b: {  	s6 =	sld [smem:$0x3FB2]  }
0x2c: {  	s7 =	sld [smem:$0x3FB3]  }
0x2d: {  	s3 =	simm.s32 $0x108;
	s8 =	sld [smem:$0x3FB4]  }
0x2e: {  	s3 =	simm.s32 @!p0 $0x1082;
	s9 =	sld [smem:$0x3FB5]  }
0x2f: {  	lr =	sadd.s32 s0, s3;
	s0 =	sld [smem:$0x3FAC]  }
0x30: {  	s3 =	sld [smem:$0x3FAF]  }
0x31: {  	[smem:$0x3FB8] =	sst s10  }
0x32: {  	s10 =	sld [smem:$0x3FB6];
	_ =	sdelay $0x3  }
0x33: {  	p0 =	seq.s32 s10, $0x1;
	s10 =	sld [smem:$0x3FB8];
	_ =	sdelay $0x3  }
0x34: {  	[smem:$0x3FB8] =	sst s10  }
0x35: {  	s10 =	sld [smem:$0x3FB7];
	_ =	sdelay $0x3  }
0x36: {  	p1 =	seq.s32 s10, $0x1;
	s10 =	sld [smem:$0x3FB8];
	_ =	sdelay $0x3  }
0x37: {  	[smem:$0x3FB8] =	sst s10  }
0x38: {  	s10 =	sld [smem:$0x3FB9]  }
0x39: {  	_ = 	snop;
	(pc) =	sbr.ind lr, $3  }
0x3a: {  	_ = 	snop  }
0x3b: {  	_ = 	snop  }
0x3c: {  	p2 =	seq.s32 s10, $0x1;
	s10 =	sld [smem:$0x3FB8]  }
0x3d: {  	_ =	shalt  }
0x3e: {  	_ =	shalt  }
0x3f: {  	_ =	shalt  }
0x40: {  	_ =	shalt  }
0x41: {  	_ =	shalt  }
0x42: {  	_ =	shalt  }
0x43: {  	_ =	shalt  }
0x44: {  	_ =	shalt  }
0x45: {  	_ =	shalt  }
0x46: {  	_ =	shalt  }
0x47: {  	_ =	shalt  }
0x48: {  	_ =	shalt  }
0x49: {  	_ =	shalt  }
0x4a: {  	_ =	shalt  }
0x4b: {  	_ =	shalt  }
0x4c: {  	_ =	shalt  }
0x4d: {  	_ =	shalt  }
0x4e: {  	_ =	shalt  }
0x4f: {  	_ =	shalt  }
0x50: {  	_ =	shalt  }
0x51: {  	_ =	shalt  }
0x52: {  	_ =	shalt  }
0x53: {  	_ =	shalt  }
0x54: {  	_ =	shalt  }
0x55: {  	_ =	shalt  }
0x56: {  	_ =	shalt  }
0x57: {  	_ =	shalt  }
0x58: {  	_ =	shalt  }
0x59: {  	_ =	shalt  }
0x5a: {  	_ =	shalt  }
0x5b: {  	_ =	shalt  }
0x5c: {  	_ =	shalt  }
0x5d: {  	_ =	shalt  }
0x5e: {  	_ =	shalt  }
0x5f: {  	_ =	shalt  }
0x60: {  	_ =	shalt  }
0x61: {  	_ =	shalt  }
0x62: {  	_ =	shalt  }
0x63: {  	_ =	shalt  }
0x64: {  	_ =	shalt  }
0x65: {  	_ =	shalt  }
0x66: {  	_ =	shalt  }
0x67: {  	_ =	shalt  }
0x68: {  	_ =	shalt  }
0x69: {  	_ =	shalt  }
0x6a: {  	_ =	shalt  }
0x6b: {  	_ =	shalt  }
0x6c: {  	_ =	shalt  }
0x6d: {  	_ =	shalt  }
0x6e: {  	_ =	shalt  }
0x6f: {  	_ =	shalt  }
0x70: {  	_ =	shalt  }
0x71: {  	_ =	shalt  }
0x72: {  	_ =	shalt  }
0x73: {  	_ =	shalt  }
0x74: {  	_ =	shalt  }
0x75: {  	_ =	shalt  }
0x76: {  	_ =	shalt  }
0x77: {  	_ =	shalt  }
0x78: {  	_ =	shalt  }
0x79: {  	_ =	shalt  }
0x7a: {  	_ =	shalt  }
0x7b: {  	_ =	shalt  }
0x7c: {  	_ =	shalt  }
0x7d: {  	_ =	shalt  }
0x7e: {  	_ =	shalt  }
0x7f: {  	_ =	shalt  }
0x80: {  	_ =	shalt  }
0x81: {  	_ =	shalt  }
0x82: {  	_ =	shalt  }
0x83: {  	_ =	shalt  }
0x84: {  	_ =	shalt  }
0x85: {  	_ =	shalt  }
0x86: {  	_ =	shalt  }
0x87: {  	_ =	shalt  }
.Lfunc_end0:
.L_simem_size_0:
called_computation_lowered:
.L_overlay_start_0:
0x88: {  	s2 =	sld [smem:$0x3FD9]  }
0x89: {  	s3 =	sld [smem:$0x3FFE];
	_ =	sdelay $0x1  }
0x8a: {  	s1 =	srdreg.scid  }
0x8b: {  	s0 =	sand.u32 $0x1, s1  }
0x8c: {  	s17 =	sshll.u32 s0, $0xA;
	s2 =	sadd.s32 s3, s2  }
0x8d: {  	s2 =	sadd.s32 s2, s17  }
0x8e: {  	[smem:$0x3FC4] =	sst s2  }
0x8f: {  	_ = 	snop  }
0x90: {  	s2 =	sld [smem:$0x3FC9]  }
0x91: {  	s18 =	sld [smem:$0x3FD0];
	(tm) =	ssettm $0x1  }
0x92: {  	s4 =	sld [smem:$0x3FFB];
	_ =	sdelay $0x3  }
0x93: {  	_ =	strace s4  }
0x94: {  	s4 =	sld [smem:$0x3FFC];
	_ =	sdelay $0x3  }
0x95: {  	_ =	strace s4  }
0x96: {  	s4 =	sld [smem:$0x3FFD];
	_ =	sdelay $0x3  }
0x97: {  	_ =	strace s4  }
0x98: {  	_ =	strace $0x8FFFFFFF  }
0x99: {  	s19 =	sld [smem:$0x3FDB];
	_ =	sdelay $0x1  }
0x9a: {  	s5 =	simm.s32 $_scs_section_size  }
0x9b: {  	s6 =	simm.s32 $_size__tile_overlayer_lowered;
	s7 =	simm.s32 $_tile_overlayer_lowered  }
0x9c: {  	s22 =	simm.s32 $0x1BFF;
	s21 =	sshll.u32 s7, $0x1;
	s4 =	sadd.s32 s5, s19  }
0x9d: {  	s8 =	simm.s32 $0x0;
	s20 =	sshll.u32 s6, $0x1;
	s6 =	sadd.s32 s21, s4  }
0x9e: {  	[timem:s8], [sflag:s22] =	dma.local [hbm:s6], s20  }
0x9f: {  	_ =	swait.ge [sflag:s22], s20  }
0xa0: {  	s5 =	ssub.s32 $0x0, s20;
	[sflag:s22] =	ssyncset.done $0x0  }
0xa1: {  	[sflag:s22] =	ssyncadd.s32 s5;
	_ =	sdelay $0x1  }
0xa2: {  	s23 =	simm.s32 $0x1B8B  }
0xa3: {  	_ =	swait.ge [sflag:s23], $0x1  }
0xa4: {  	[sflag:s23] =	ssyncset.done $0x0  }
0xa5: {  	s25 =	simm.s32 $0x1B8E;
	s24 =	sld [smem:$0x3FFE];
	[sflag:s23] =	ssyncadd.s32 $0xFFFFFFFF  }
0xa6: {  	s26 =	simm.s32 $execute0_lowered;
	[smem:$0x3FD2] =	sst s25  }
0xa7: {  	s6 =	sshll.u32 s26, $0x1;
	_ =	strace $0x80000046;
	[dreg:$0x1] =	wrdreg $0xFFFFFFFF  }
0xa8: {  	s28 =	simm.s32 $_size_execute0_lowered;
	s4 =	sadd.s32 s4, s6;
	[dreg:$0x0] =	wrdreg $0x0  }
0xa9: {  	s6 =	sshll.u32 s28, $0x1;
	[dreg:$0x2] =	wrdreg s4  }
0xaa: {  	[dreg:$0x3] =	wrdreg s6  }
0xab: {  	[dreg:$0x4] =	wrdreg $0xC0  }
0xac: {  	_ =	task [dreg:s8], $0x5FFFF  }
0xad: {  	[dreg:$0x1] =	wrdreg $0xFFFFFFFF  }
0xae: {  	[dreg:$0x0] =	wrdreg $0x60  }
0xaf: {  	[dreg:$0x2] =	wrdreg s24  }
0xb0: {  	[dreg:$0x3] =	wrdreg s2  }
0xb1: {  	[dreg:$0x4] =	wrdreg s18  }
0xb2: {  	[dreg:$0x5] =	wrdreg $0x9  }
0xb3: {  	_ =	task.clear_ibuf [dreg:s8], $0x6FFFF;
	_ =	strace $0x90000046  }
0xb4: {  	s29 =	simm.s32 $0x9;
	_ =	strace $0x80000048  }
0xb5: {  	_ =	swait.ge [sflag:s29], $0x1  }
0xb6: {  	[sflag:s29] =	ssyncadd.s32 $0xFFFFFFFF  }
0xb7: {  	_ =	strace $0x90000048  }
0xb8: {  	_ =	sfence  }
0xb9: {  	s30 =	sld [smem:$0x0];
	_ =	sdelay $0x2  }
0xba: {  	s31 =	sshll.u32 s1, $0xD;
	s1 =	sshrl.u32 s1, $0x2  }
0xbb: {  	s3 =	sand.u32 $0x4000, s31;
	s1 =	sadd.s32 s1, s30  }
0xbc: {  	s0 =	sor.u32 s3, s0;
	s1 =	sshll.u32 s1, $0x11  }
0xbd: {  	s0 =	sor.u32 s1, s0  }
0xbe: {  	s0 =	sadd.s32 $0x8F2B, s0  }
0xbf: {  	[sflag:s0] =	ssyncadd.remote.s32 $0x1  }
0xc0: {  	_ =	sfence.sel $0xFFFF  }
0xc1: {  	[dreg:$0x0] =	wrdreg $0xFFFFFFFF;
	(pc) =	sbr.abs _section_cstart, $3  }
0xc2: {  	[dreg:$0x1] =	wrdreg $0xFFFFFFFF  }
0xc3: {  	_ =	task.clear_ibuf [dreg:s8], $0x2FFFF;
	_ =	strace $0x9FFFFFFF  }
0xc4: {  	(tm) =	ssettm $0x7FFFFFFF  }
0xc5: {  	_ =	shalt  }
tec
execute0_lowered:
.L_overlay_start_1:
0x0: {  	(tag) =	ssettag $0x1  }
0x1: {  	s0 =	srdreg.scid  }
0x2: {  	s1 =	stileid.u32;
	s5 =	rddreg [dreg:$0x0]  }
0x3: {  	s3 =	rddreg [dreg:$0x2];
	s31 =	simm.s32 $0x800;
	s30 =	simm.s32 $0xC00  }
0x4: {  	s29 =	simm.s32 $0x1000;
	s0 =	sand.u32 $0x1, s0;
	s2 =	sshll.u32 s1, $0x1  }
0x5: {  	s28 =	simm.s32 $0x1400;
	p0 =	por $0x0, $0x0;
	s6 =	sor.u32 s0, s2  }
0x6: {  	s1 =	rddreg [dreg:$0x1];
	s2 =	simm.s32 $0x0;
	s4 =	smul.u32 $0x6400, s6  }
0x7: {  	s5 =	sadd.s32 $0x800, s5;
	[smem:$0x7FF] =	sst s2;
	s6 =	smul.u32 $0x12000, s6  }
0x8: {  	_ =	strace $0x80000047;
	[dreg:$0x4] =	wrdreg s5;
	s5 =	ssub.s32 $0x2, s0  }
0x9: {  	s7 =	sshrl.u32 s4, $0x7;
	s6 =	sand.u32 $0x1E000, s6;
	s8 =	sadd.s32 $0x400, s4  }
0xa: {  	s25 =	sadd.s32 $0x800, s4;
	s13 =	sadd.s32 $0x1000, s4;
	s19 =	sadd.s32 $0x1400, s4  }
0xb: {  	s7 =	sor.u32 s7, s4;
	s24 =	sshll.u32 s8, $0x3;
	s9 =	sand.u32 $0x1E0000, s8  }
0xc: {  	s8 =	sshrl.u32 s8, $0x7;
	s26 =	sshll.u32 s25, $0x3;
	s7 =	sand.u32 $0xE0380, s7  }
0xd: {  	s10 =	sand.u32 $0x1E0000, s25;
	s14 =	sshll.u32 s13, $0x3;
	s7 =	sor.u32 s6, s7  }
0xe: {  	s21 =	sshll.u32 s19, $0x3;
	s23 =	sshrl.u32 s7, $0x3;
	s7 =	sand.u32 $0x1E000, s24  }
0xf: {  	s22 =	sand.u32 $0x1E0000, s19;
	s8 =	sand.u32 $0x380, s8;
	s7 =	sor.u32 s9, s7  }
0x10: {  	s0 =	sadd.s32 s1, s23;
	s9 =	sshrl.u32 s25, $0x7;
	s23 =	sadd.s32 $0x1800, s4  }
0x11: {  	s7 =	sor.u32 s8, s7;
	s8 =	sand.u32 $0x1E000, s26;
	s9 =	sand.u32 $0x380, s9  }
0x12: {  	[dreg:$0x5] =	wrdreg s0;
	s25 =	sshll.u32 s23, $0x3;
	s26 =	sand.u32 $0x1E0000, s23  }
0x13: {  	s7 =	sshrl.u32 s7, $0x3;
	s8 =	sor.u32 s10, s8;
	s10 =	sadd.s32 $0xC00, s4  }
0x14: {  	s7 =	sadd.s32 s1, s7;
	s8 =	sor.u32 s9, s8;
	s11 =	sand.u32 $0x1E0000, s10  }
0x15: {  	s12 =	sshll.u32 s10, $0x3;
	[dreg:$0x6] =	wrdreg s7;
	s9 =	sshrl.u32 s8, $0x3  }
0x16: {  	s7 =	sshrl.u32 s10, $0x7;
	s10 =	sshrl.u32 s13, $0x7;
	s0 =	sadd.s32 s1, s9  }
0x17: {  	s9 =	sand.u32 $0x1E000, s12;
	s7 =	sand.u32 $0x380, s7;
	s16 =	sand.u32 $0x380, s10  }
0x18: {  	s8 =	sor.u32 s11, s9;
	s11 =	sand.u32 $0x1E0000, s13;
	s9 =	sand.u32 $0x1E000, s14  }
0x19: {  	[dreg:$0x7] =	wrdreg s0;
	s7 =	sor.u32 s7, s8;
	s15 =	sor.u32 s11, s9  }
0x1a: {  	s8 =	sshrl.u32 s19, $0x7;
	s9 =	sshrl.u32 s23, $0x7;
	s11 =	sadd.s32 $0x1C00, s4  }
0x1b: {  	s17 =	sshrl.u32 s7, $0x3;
	s18 =	sor.u32 s16, s15;
	s8 =	sand.u32 $0x380, s8  }
0x1c: {  	s10 =	sand.u32 $0x380, s9;
	s13 =	sshll.u32 s11, $0x3;
	s14 =	sand.u32 $0x1E0000, s11  }
0x1d: {  	s15 =	sadd.s32 $0x2000, s4;
	s0 =	sadd.s32 s1, s17;
	s7 =	sshrl.u32 s18, $0x3  }
0x1e: {  	s16 =	sshll.u32 s15, $0x3;
	s17 =	sand.u32 $0x1E0000, s15;
	s9 =	sshrl.u32 s15, $0x7  }
0x1f: {  	[dreg:$0x8] =	wrdreg s0;
	s20 =	sadd.s32 s1, s7;
	s7 =	sand.u32 $0x1E000, s21  }
0x20: {  	s9 =	sand.u32 $0x380, s9;
	s21 =	sadd.s32 $0x2400, s4;
	s7 =	sor.u32 s22, s7  }
0x21: {  	[dreg:$0x9] =	wrdreg s20;
	s22 =	sand.u32 $0x1E0000, s21;
	s23 =	sshll.u32 s21, $0x3  }
0x22: {  	s24 =	sor.u32 s8, s7;
	s7 =	sand.u32 $0x1E000, s25;
	s8 =	sshrl.u32 s11, $0x7  }
0x23: {  	s11 =	sadd.s32 $0x3800, s4;
	s0 =	sshrl.u32 s24, $0x3;
	s7 =	sor.u32 s26, s7  }
0x24: {  	s8 =	sand.u32 $0x380, s8;
	s24 =	sadd.s32 $0x2800, s4;
	s0 =	sadd.s32 s1, s0  }
0x25: {  	s7 =	sor.u32 s10, s7;
	s25 =	sshll.u32 s24, $0x3;
	s26 =	sand.u32 $0x1E0000, s24  }
0x26: {  	s10 =	sshrl.u32 s24, $0x7;
	s12 =	sshrl.u32 s7, $0x3;
	s7 =	sand.u32 $0x1E000, s13  }
0x27: {  	[dreg:$0xa] =	wrdreg s0;
	s13 =	sand.u32 $0x380, s10;
	s7 =	sor.u32 s14, s7  }
0x28: {  	s0 =	sadd.s32 s1, s12;
	s7 =	sor.u32 s8, s7;
	s8 =	sand.u32 $0x1E000, s16  }
0x29: {  	[dreg:$0xb] =	wrdreg s0;
	s7 =	sshrl.u32 s7, $0x3;
	s8 =	sor.u32 s17, s8  }
0x2a: {  	s16 =	sadd.s32 $0x2C00, s4;
	s18 =	sadd.s32 s1, s7;
	s19 =	sor.u32 s9, s8  }
0x2b: {  	s9 =	sand.u32 $0x1E000, s23;
	s7 =	sshrl.u32 s21, $0x7;
	[dreg:$0xc] =	wrdreg s18  }
0x2c: {  	s20 =	sshrl.u32 s19, $0x3;
	s8 =	sor.u32 s22, s9;
	s7 =	sand.u32 $0x380, s7  }
0x2d: {  	s9 =	sand.u32 $0x1E000, s25;
	s18 =	sshll.u32 s16, $0x3;
	s19 =	sand.u32 $0x1E0000, s16  }
0x2e: {  	s25 =	sadd.s32 $0x3400, s4;
	s0 =	sadd.s32 s1, s20;
	s7 =	sor.u32 s7, s8  }
0x2f: {  	s12 =	sor.u32 s26, s9;
	s8 =	sshrl.u32 s16, $0x7;
	s20 =	sadd.s32 $0x3000, s4  }
0x30: {  	s10 =	sand.u32 $0x1E0000, s25;
	[dreg:$0xd] =	wrdreg s0;
	s14 =	sshrl.u32 s7, $0x3  }
0x31: {  	s15 =	sor.u32 s13, s12;
	s8 =	sand.u32 $0x380, s8;
	s22 =	sshll.u32 s20, $0x3  }
0x32: {  	s23 =	sand.u32 $0x1E0000, s20;
	s9 =	sshrl.u32 s20, $0x7;
	s12 =	sshll.u32 s11, $0x3  }
0x33: {  	s13 =	sand.u32 $0x1E0000, s11;
	s20 =	sadd.s32 $0x4000, s4;
	s0 =	sadd.s32 s1, s14  }
0x34: {  	s7 =	sshrl.u32 s15, $0x3;
	s24 =	sand.u32 $0x380, s9;
	s9 =	sshll.u32 s25, $0x3  }
0x35: {  	[dreg:$0xe] =	wrdreg s0;
	s17 =	sadd.s32 s1, s7;
	s7 =	sand.u32 $0x1E000, s18  }
0x36: {  	s7 =	sor.u32 s19, s7;
	[dreg:$0xf] =	wrdreg s17;
	s17 =	sadd.s32 $0x3C00, s4  }
0x37: {  	s21 =	sor.u32 s8, s7;
	s7 =	sand.u32 $0x1E000, s22;
	s8 =	sshrl.u32 s25, $0x7  }
0x38: {  	s18 =	sand.u32 $0x1E0000, s17;
	s19 =	sshll.u32 s17, $0x3;
	s0 =	sshrl.u32 s21, $0x3  }
0x39: {  	s7 =	sor.u32 s23, s7;
	s8 =	sand.u32 $0x380, s8;
	s21 =	sshrl.u32 s20, $0x7  }
0x3a: {  	s0 =	sadd.s32 s1, s0;
	s7 =	sor.u32 s24, s7;
	s23 =	sor.u32 s21, s20  }
0x3b: {  	s24 =	sadd.s32 $0x4400, s4;
	[dreg:$0x10] =	wrdreg s0;
	s26 =	sshrl.u32 s7, $0x3  }
0x3c: {  	s7 =	sand.u32 $0x1E000, s9;
	s9 =	sshrl.u32 s11, $0x7;
	s25 =	sshll.u32 s24, $0x3  }
0x3d: {  	s7 =	sor.u32 s10, s7;
	s0 =	sadd.s32 s1, s26;
	s9 =	sand.u32 $0x380, s9  }
0x3e: {  	s26 =	sand.u32 $0x1E0000, s24;
	s7 =	sor.u32 s8, s7;
	s8 =	sand.u32 $0x1E000, s12  }
0x3f: {  	[dreg:$0x11] =	wrdreg s0;
	s7 =	sshrl.u32 s7, $0x3;
	s8 =	sor.u32 s13, s8  }
0x40: {  	s13 =	sadd.s32 $0x4800, s4;
	s14 =	sadd.s32 s1, s7;
	s15 =	sor.u32 s9, s8  }
0x41: {  	s9 =	sand.u32 $0x1E000, s19;
	s7 =	sshrl.u32 s17, $0x7;
	[dreg:$0x12] =	wrdreg s14  }
0x42: {  	s16 =	sshrl.u32 s15, $0x3;
	s8 =	sor.u32 s18, s9;
	s7 =	sand.u32 $0x380, s7  }
0x43: {  	s14 =	sand.u32 $0x1E0000, s13;
	s15 =	sshll.u32 s13, $0x3;
	s0 =	sadd.s32 s1, s16  }
0x44: {  	s22 =	sor.u32 s7, s8;
	s7 =	sand.u32 $0x1E0380, s23;
	s8 =	sshrl.u32 s24, $0x7  }
0x45: {  	s16 =	sadd.s32 $0x4C00, s4;
	s23 =	sadd.s32 $0x5000, s4;
	[dreg:$0x13] =	wrdreg s0  }
0x46: {  	s0 =	sshrl.u32 s22, $0x3;
	s6 =	sor.u32 s6, s7;
	s7 =	sand.u32 $0x1E000, s25  }
0x47: {  	s8 =	sand.u32 $0x380, s8;
	s17 =	sshll.u32 s16, $0x3;
	s18 =	sand.u32 $0x1E0000, s16  }
0x48: {  	s9 =	sshrl.u32 s16, $0x7;
	s25 =	sshll.u32 s23, $0x3;
	s0 =	sadd.s32 s1, s0  }
0x49: {  	s6 =	sshrl.u32 s6, $0x3;
	s7 =	sor.u32 s26, s7;
	s20 =	sand.u32 $0x380, s9  }
0x4a: {  	s26 =	sand.u32 $0x1E0000, s23;
	s9 =	sadd.s32 $0x5400, s4;
	[dreg:$0x14] =	wrdreg s0  }
0x4b: {  	s10 =	sadd.s32 s1, s6;
	s11 =	sor.u32 s8, s7;
	s8 =	sand.u32 $0x1E000, s15  }
0x4c: {  	s6 =	sshrl.u32 s13, $0x7;
	[dreg:$0x15] =	wrdreg s10;
	s12 =	sshrl.u32 s11, $0x3  }
0x4d: {  	s7 =	sor.u32 s14, s8;
	s6 =	sand.u32 $0x380, s6;
	s8 =	sand.u32 $0x1E000, s17  }
0x4e: {  	s11 =	sshll.u32 s9, $0x3;
	s14 =	sadd.s32 $0x5800, s4;
	s0 =	sadd.s32 s1, s12  }
0x4f: {  	s6 =	sor.u32 s6, s7;
	s19 =	sor.u32 s18, s8;
	s7 =	sshrl.u32 s23, $0x7  }
0x50: {  	s12 =	sand.u32 $0x1E0000, s9;
	s8 =	sshrl.u32 s9, $0x7;
	s16 =	sshll.u32 s14, $0x3  }
0x51: {  	s17 =	sand.u32 $0x1E0000, s14;
	[dreg:$0x16] =	wrdreg s0;
	s21 =	sshrl.u32 s6, $0x3  }
0x52: {  	s22 =	sor.u32 s20, s19;
	s7 =	sand.u32 $0x380, s7;
	s13 =	sand.u32 $0x380, s8  }
0x53: {  	s19 =	sadd.s32 $0x5C00, s4;
	s0 =	sadd.s32 s1, s21;
	s6 =	sshrl.u32 s22, $0x3  }
0x54: {  	s20 =	sand.u32 $0x1E0000, s19;
	s21 =	sshll.u32 s19, $0x3;
	s22 =	sadd.s32 $0x6000, s4  }
0x55: {  	[dreg:$0x17] =	wrdreg s0;
	s24 =	sadd.s32 s1, s6;
	s6 =	sand.u32 $0x1E000, s25  }
0x56: {  	s8 =	sand.u32 $0x1E000, s21;
	s23 =	sshll.u32 s22, $0x3;
	s9 =	sshrl.u32 s22, $0x7  }
0x57: {  	s21 =	simm.s32 $0x2C00;
	s6 =	sor.u32 s26, s6;
	[dreg:$0x18] =	wrdreg s24  }
0x58: {  	s24 =	sand.u32 $0x1E0000, s22;
	s26 =	sand.u32 $0x380, s9;
	s9 =	sshrl.u32 s4, $0x3  }
0x59: {  	s22 =	simm.s32 $0x2800;
	s4 =	simm.s32 $0x1;
	s10 =	sor.u32 s7, s6  }
0x5a: {  	s6 =	sand.u32 $0x1E000, s11;
	s7 =	sshrl.u32 s14, $0x7;
	s11 =	sadd.s32 s3, s9  }
0x5b: {  	s14 =	simm.s32 $0x4800;
	s9 =	simm.s32 $0x5000;
	s3 =	simm.s32 $0x2  }
0x5c: {  	s0 =	sshrl.u32 s10, $0x3;
	s6 =	sor.u32 s12, s6;
	s7 =	sand.u32 $0x380, s7  }
0x5d: {  	s10 =	sshrl.u32 s5, $0x1;
	[dreg:$0x1e] =	wrdreg s11;
	s11 =	simm.s32 $0x6000  }
0x5e: {  	s0 =	sadd.s32 s1, s0;
	s6 =	sor.u32 s13, s6;
	s12 =	ssub.s32 s5, s10  }
0x5f: {  	s10 =	simm.s32 $0x5C00;
	s5 =	simm.s32 $0x6400;
	[dreg:$0x19] =	wrdreg s0  }
0x60: {  	s15 =	sshrl.u32 s6, $0x3;
	s6 =	sand.u32 $0x1E000, s16;
	s13 =	smax.u32 s12, $0x1  }
0x61: {  	s16 =	simm.s32 $0x4000;
	s12 =	simm.s32 $0x4C00;
	s0 =	sadd.s32 s1, s15  }
0x62: {  	s6 =	sor.u32 s17, s6;
	s17 =	simm.s32 $0x3C00;
	s15 =	simm.s32 $0x4400  }
0x63: {  	p1 =	sne.s32 s13, $0x1;
	[dreg:$0x1a] =	wrdreg s0;
	s18 =	sor.u32 s7, s6  }
0x64: {  	s6 =	sshrl.u32 s19, $0x7;
	s7 =	sor.u32 s20, s8;
	s8 =	sand.u32 $0x1E000, s23  }
0x65: {  	s23 =	simm.s32 $0x2400;
	s20 =	simm.s32 $0x3000;
	s19 =	simm.s32 $0x3400  }
0x66: {  	s0 =	sshrl.u32 s18, $0x3;
	s6 =	sand.u32 $0x380, s6;
	s25 =	sor.u32 s24, s8  }
0x67: {  	s24 =	simm.s32 $0x2000;
	s18 =	simm.s32 $0x3800;
	s6 =	sor.u32 s6, s7  }
0x68: {  	s0 =	sadd.s32 s1, s0;
	s7 =	sor.u32 s26, s25;
	s26 =	simm.s32 $0x1800  }
.Ltmp0:
0x69: {  	s25 =	simm.s32 $0x1C00;
	[dreg:$0x1b] =	wrdreg s0;
	(pc) =	sbr.rel @!p1 .LBB2_5-.Ltmp0, $4  }
0x6a: {  	s6 =	sshrl.u32 s6, $0x3;
	s7 =	sshrl.u32 s7, $0x3;
	s0 =	rddreg [dreg:$0x5]  }
0x6b: {  	s6 =	sadd.s32 s1, s6;
	s8 =	sadd.s32 s1, s7;
	s7 =	simm.s32 $0x400  }
0x6c: {  	s1 =	sadd.s32 $0xFFFFFFFF, s13;
	s13 =	simm.s32 $0x5800;
	[dreg:$0x1c] =	wrdreg s6  }
0x6d: {  	[dreg:$0x1d] =	wrdreg s8;
	s6 =	simm.s32 $0x80;
	s8 =	simm.s32 $0x5400  }
0x6e: {  	[dreg:$0x1f] =	wrdreg s1  }
0x6f: {  	[tilespmem:s2], [sflag:$0x1] =	stream.strided.gather [hbm4b:s0+s6], $0x400, s7, s6, $0x38;
	[tilespmem:$0xC800] =	vst v63  }
0x70: {  	s1 =	rddreg [dreg:$0x6]  }
0x71: {  	[tilespmem:s7], [sflag:$0x1] =	stream.strided.gather [hbm4b:s1+s6], $0x400, s7, s6, $0x38;
	[tilespmem:$0xC800] =	vst v63  }
0x72: {  	s0 =	rddreg [dreg:$0x7]  }
0x73: {  	[tilespmem:s31], [sflag:$0x1] =	stream.strided.gather [hbm4b:s0+s6], $0x400, s7, s6, $0x38;
	[tilespmem:$0xC800] =	vst v63  }
0x74: {  	s1 =	rddreg [dreg:$0x8]  }
0x75: {  	[tilespmem:s30], [sflag:$0x1] =	stream.strided.gather [hbm4b:s1+s6], $0x400, s7, s6, $0x38;
	[tilespmem:$0xC800] =	vst v63  }
0x76: {  	s0 =	rddreg [dreg:$0x9]  }
0x77: {  	[tilespmem:s29], [sflag:$0x1] =	stream.strided.gather [hbm4b:s0+s6], $0x400, s7, s6, $0x38;
	[tilespmem:$0xC800] =	vst v63  }
0x78: {  	s1 =	rddreg [dreg:$0xa]  }
0x79: {  	[tilespmem:s28], [sflag:$0x1] =	stream.strided.gather [hbm4b:s1+s6], $0x400, s7, s6, $0x38;
	[tilespmem:$0xC800] =	vst v63  }
0x7a: {  	s0 =	rddreg [dreg:$0xb]  }
0x7b: {  	[tilespmem:s26], [sflag:$0x1] =	stream.strided.gather [hbm4b:s0+s6], $0x400, s7, s6, $0x38;
	[tilespmem:$0xC800] =	vst v63  }
0x7c: {  	s1 =	rddreg [dreg:$0xc]  }
0x7d: {  	[tilespmem:s25], [sflag:$0x1] =	stream.strided.gather [hbm4b:s1+s6], $0x400, s7, s6, $0x38;
	[tilespmem:$0xC800] =	vst v63  }
0x7e: {  	s0 =	rddreg [dreg:$0xd]  }
0x7f: {  	[tilespmem:s24], [sflag:$0x1] =	stream.strided.gather [hbm4b:s0+s6], $0x400, s7, s6, $0x38;
	[tilespmem:$0xC800] =	vst v63  }
0x80: {  	s26 =	rddreg [dreg:$0xe]  }
0x81: {  	[tilespmem:s23], [sflag:$0x1] =	stream.strided.gather [hbm4b:s26+s6], $0x400, s7, s6, $0x38;
	[tilespmem:$0xC800] =	vst v63  }
0x82: {  	s24 =	rddreg [dreg:$0xf]  }
0x83: {  	[tilespmem:s22], [sflag:$0x1] =	stream.strided.gather [hbm4b:s24+s6], $0x400, s7, s6, $0x38;
	[tilespmem:$0xC800] =	vst v63  }
0x84: {  	s25 =	rddreg [dreg:$0x10]  }
0x85: {  	[tilespmem:s21], [sflag:$0x1] =	stream.strided.gather [hbm4b:s25+s6], $0x400, s7, s6, $0x38;
	[tilespmem:$0xC800] =	vst v63  }
0x86: {  	s26 =	rddreg [dreg:$0x11]  }
0x87: {  	[tilespmem:s20], [sflag:$0x1] =	stream.strided.gather [hbm4b:s26+s6], $0x400, s7, s6, $0x38;
	[tilespmem:$0xC800] =	vst v63  }
0x88: {  	s22 =	rddreg [dreg:$0x12]  }
0x89: {  	[tilespmem:s19], [sflag:$0x1] =	stream.strided.gather [hbm4b:s22+s6], $0x400, s7, s6, $0x38;
	[tilespmem:$0xC800] =	vst v63  }
0x8a: {  	s23 =	rddreg [dreg:$0x13]  }
0x8b: {  	[tilespmem:s18], [sflag:$0x1] =	stream.strided.gather [hbm4b:s23+s6], $0x400, s7, s6, $0x38;
	[tilespmem:$0xC800] =	vst v63  }
0x8c: {  	s24 =	rddreg [dreg:$0x14]  }
0x8d: {  	[tilespmem:s17], [sflag:$0x1] =	stream.strided.gather [hbm4b:s24+s6], $0x400, s7, s6, $0x38;
	[tilespmem:$0xC800] =	vst v63  }
0x8e: {  	s25 =	rddreg [dreg:$0x15]  }
0x8f: {  	[tilespmem:s16], [sflag:$0x1] =	stream.strided.gather [hbm4b:s25+s6], $0x400, s7, s6, $0x38;
	[tilespmem:$0xC800] =	vst v63  }
0x90: {  	s26 =	rddreg [dreg:$0x16]  }
0x91: {  	[tilespmem:s15], [sflag:$0x1] =	stream.strided.gather [hbm4b:s26+s6], $0x400, s7, s6, $0x38;
	[tilespmem:$0xC800] =	vst v63  }
0x92: {  	s17 =	rddreg [dreg:$0x17]  }
0x93: {  	[tilespmem:s14], [sflag:$0x1] =	stream.strided.gather [hbm4b:s17+s6], $0x400, s7, s6, $0x38;
	[tilespmem:$0xC800] =	vst v63  }
0x94: {  	s18 =	rddreg [dreg:$0x18]  }
0x95: {  	[tilespmem:s12], [sflag:$0x1] =	stream.strided.gather [hbm4b:s18+s6], $0x400, s7, s6, $0x38;
	[tilespmem:$0xC800] =	vst v63  }
0x96: {  	s19 =	rddreg [dreg:$0x19]  }
0x97: {  	[tilespmem:s9], [sflag:$0x1] =	stream.strided.gather [hbm4b:s19+s6], $0x400, s7, s6, $0x38;
	[tilespmem:$0xC800] =	vst v63  }
0x98: {  	s20 =	rddreg [dreg:$0x1a]  }
0x99: {  	[tilespmem:s8], [sflag:$0x1] =	stream.strided.gather [hbm4b:s20+s6], $0x400, s7, s6, $0x38;
	[tilespmem:$0xC800] =	vst v63  }
0x9a: {  	s21 =	rddreg [dreg:$0x1b]  }
0x9b: {  	[tilespmem:s13], [sflag:$0x1] =	stream.strided.gather [hbm4b:s21+s6], $0x400, s7, s6, $0x38;
	[tilespmem:$0xC800] =	vst v63  }
0x9c: {  	s22 =	rddreg [dreg:$0x1c]  }
0x9d: {  	[tilespmem:s10], [sflag:$0x1] =	stream.strided.gather [hbm4b:s22+s6], $0x400, s7, s6, $0x38;
	[tilespmem:$0xC800] =	vst v63  }
0x9e: {  	s23 =	rddreg [dreg:$0x1d]  }
0x9f: {  	[tilespmem:s11], [sflag:$0x1] =	stream.strided.gather [hbm4b:s23+s6], $0x400, s7, s6, $0x38;
	[tilespmem:$0xC800] =	vst v63  }
0xa0: {  	_ =	swait.ge [sflag:s4], $0x400  }
0xa1: {  	[sflag:s4] =	ssyncset.done $0x0  }
0xa2: {  	[sflag:s4] =	ssyncadd.s32 $0xFFFFFC00  }
0xa3: {  	_ =	swait.ge [sflag:s4], $0x400  }
0xa4: {  	[sflag:s4] =	ssyncset.done $0x0  }
0xa5: {  	[sflag:s4] =	ssyncadd.s32 $0xFFFFFC00  }
0xa6: {  	_ =	swait.ge [sflag:s4], $0x400  }
0xa7: {  	[sflag:s4] =	ssyncset.done $0x0  }
0xa8: {  	[sflag:s4] =	ssyncadd.s32 $0xFFFFFC00  }
0xa9: {  	_ =	swait.ge [sflag:s4], $0x400  }
0xaa: {  	[sflag:s4] =	ssyncset.done $0x0  }
0xab: {  	[sflag:s4] =	ssyncadd.s32 $0xFFFFFC00  }
0xac: {  	_ =	swait.ge [sflag:s4], $0x400  }
0xad: {  	[sflag:s4] =	ssyncset.done $0x0  }
0xae: {  	[sflag:s4] =	ssyncadd.s32 $0xFFFFFC00  }
0xaf: {  	_ =	swait.ge [sflag:s4], $0x400  }
0xb0: {  	[sflag:s4] =	ssyncset.done $0x0  }
0xb1: {  	[sflag:s4] =	ssyncadd.s32 $0xFFFFFC00  }
0xb2: {  	_ =	swait.ge [sflag:s4], $0x400  }
0xb3: {  	[sflag:s4] =	ssyncset.done $0x0  }
0xb4: {  	[sflag:s4] =	ssyncadd.s32 $0xFFFFFC00  }
0xb5: {  	_ =	swait.ge [sflag:s4], $0x400  }
0xb6: {  	[sflag:s4] =	ssyncset.done $0x0  }
0xb7: {  	[sflag:s4] =	ssyncadd.s32 $0xFFFFFC00  }
0xb8: {  	_ =	swait.ge [sflag:s4], $0x400  }
0xb9: {  	[sflag:s4] =	ssyncset.done $0x0  }
0xba: {  	[sflag:s4] =	ssyncadd.s32 $0xFFFFFC00  }
0xbb: {  	_ =	swait.ge [sflag:s4], $0x400  }
0xbc: {  	[sflag:s4] =	ssyncset.done $0x0  }
0xbd: {  	[sflag:s4] =	ssyncadd.s32 $0xFFFFFC00  }
0xbe: {  	_ =	swait.ge [sflag:s4], $0x400  }
0xbf: {  	[sflag:s4] =	ssyncset.done $0x0  }
0xc0: {  	[sflag:s4] =	ssyncadd.s32 $0xFFFFFC00  }
0xc1: {  	_ =	swait.ge [sflag:s4], $0x400  }
0xc2: {  	[sflag:s4] =	ssyncset.done $0x0  }
0xc3: {  	[sflag:s4] =	ssyncadd.s32 $0xFFFFFC00  }
0xc4: {  	_ =	swait.ge [sflag:s4], $0x400  }
0xc5: {  	[sflag:s4] =	ssyncset.done $0x0  }
0xc6: {  	[sflag:s4] =	ssyncadd.s32 $0xFFFFFC00  }
0xc7: {  	_ =	swait.ge [sflag:s4], $0x400  }
0xc8: {  	[sflag:s4] =	ssyncset.done $0x0  }
0xc9: {  	[sflag:s4] =	ssyncadd.s32 $0xFFFFFC00  }
0xca: {  	_ =	swait.ge [sflag:s4], $0x400  }
0xcb: {  	[sflag:s4] =	ssyncset.done $0x0  }
0xcc: {  	[sflag:s4] =	ssyncadd.s32 $0xFFFFFC00  }
0xcd: {  	_ =	swait.ge [sflag:s4], $0x400  }
0xce: {  	[sflag:s4] =	ssyncset.done $0x0  }
0xcf: {  	[sflag:s4] =	ssyncadd.s32 $0xFFFFFC00  }
0xd0: {  	_ =	swait.ge [sflag:s4], $0x400  }
0xd1: {  	[sflag:s4] =	ssyncset.done $0x0  }
0xd2: {  	[sflag:s4] =	ssyncadd.s32 $0xFFFFFC00  }
0xd3: {  	_ =	swait.ge [sflag:s4], $0x400  }
0xd4: {  	[sflag:s4] =	ssyncset.done $0x0  }
0xd5: {  	[sflag:s4] =	ssyncadd.s32 $0xFFFFFC00  }
0xd6: {  	_ =	swait.ge [sflag:s4], $0x400  }
0xd7: {  	[sflag:s4] =	ssyncset.done $0x0  }
0xd8: {  	[sflag:s4] =	ssyncadd.s32 $0xFFFFFC00  }
0xd9: {  	_ =	swait.ge [sflag:s4], $0x400  }
0xda: {  	[sflag:s4] =	ssyncset.done $0x0  }
0xdb: {  	[sflag:s4] =	ssyncadd.s32 $0xFFFFFC00  }
0xdc: {  	_ =	swait.ge [sflag:s4], $0x400  }
0xdd: {  	[sflag:s4] =	ssyncset.done $0x0  }
0xde: {  	[sflag:s4] =	ssyncadd.s32 $0xFFFFFC00  }
0xdf: {  	_ =	swait.ge [sflag:s4], $0x400  }
0xe0: {  	[sflag:s4] =	ssyncset.done $0x0  }
0xe1: {  	[sflag:s4] =	ssyncadd.s32 $0xFFFFFC00  }
0xe2: {  	_ =	swait.ge [sflag:s4], $0x400  }
0xe3: {  	[sflag:s4] =	ssyncset.done $0x0  }
0xe4: {  	p0 =	por $0x1, $0x1;
	[sflag:s4] =	ssyncadd.s32 $0xFFFFFC00  }
0xe5: {  	s31 =	simm.s32 $0xC00;
	s30 =	simm.s32 $0x1000;
	_ =	swait.ge [sflag:s4], $0x400  }
0xe6: {  	s29 =	simm.s32 $0x1400;
	s28 =	simm.s32 $0x1800;
	[sflag:s4] =	ssyncset.done $0x0  }
0xe7: {  	s16 =	simm.s32 $0x4400;
	s15 =	simm.s32 $0x4800;
	[sflag:s4] =	ssyncadd.s32 $0xFFFFFC00  }
0xe8: {  	s17 =	simm.s32 $0x4000;
	s14 =	simm.s32 $0x5800;
	_ =	swait.ge [sflag:s4], $0x400  }
0xe9: {  	s18 =	simm.s32 $0x3C00;
	s12 =	simm.s32 $0x6000;
	[sflag:s4] =	ssyncset.done $0x0  }
0xea: {  	s19 =	simm.s32 $0x3800;
	s24 =	rddreg [dreg:$0x4];
	[sflag:s4] =	ssyncadd.s32 $0xFFFFFC00  }
0xeb: {  	[tilespmem:s5], [sflag:$0x1] =	stream.indirect.gather [hbm4b:s24+s5], $0x1, s2, s5, $0xb8;
	[tilespmem:$0xC800] =	vst v63  }
0xec: {  	s20 =	simm.s32 $0x3400;
	s21 =	simm.s32 $0x3000;
	_ =	swait.ge [sflag:s4], $0x6400  }
0xed: {  	s13 =	simm.s32 $0x4C00;
	s10 =	simm.s32 $0x800;
	s26 =	rddreg [dreg:$0x1f]  }
0xee: {  	s22 =	simm.s32 $0x2C00;
	s23 =	simm.s32 $0x2800;
	p1 =	sne.s32 s26, $0x1  }
.Ltmp1:
0xef: {  	s11 =	simm.s32 $0x5C00;
	[sflag:s4] =	ssyncset.done $0x0;
	(pc) =	sbr.rel @!p1 .LBB2_2-.Ltmp1, $4  }
0xf0: {  	s24 =	simm.s32 $0x2400;
	s25 =	rddreg [dreg:$0x1e];
	[sflag:s4] =	ssyncadd.s32 $0xFFFF9C00  }
0xf1: {  	[hbm4b:s25+s2] =	stream.linear.scatter [tilespmem:s5], [sflag:$0x2], $0x6400, $0x38;
	[tilespmem:$0xC800] =	vst v63  }
0xf2: {  	s1 =	sadd.s32 $0xFFFFFFFF, s26;
	s26 =	simm.s32 $0x1C00;
	_ =	swait.ge [sflag:s3], $0x6400  }
0xf3: {  	s25 =	simm.s32 $0x2000;
	s0 =	rddreg [dreg:$0x5];
	[sflag:s3] =	ssyncset.done $0x0  }
.LBB2_3:
0xf4: {  	[sflag:s3] =	ssyncadd.s32 $0xFFFF9C00  }
0xf5: {  	[tilespmem:s2], [sflag:$0x1] =	stream.strided.gather [hbm4b:s0+s6], $0x400, s7, s6, $0x38;
	[tilespmem:$0xC800] =	vst v63  }
0xf6: {  	s8 =	rddreg [dreg:$0x6]  }
0xf7: {  	[tilespmem:s7], [sflag:$0x1] =	stream.strided.gather [hbm4b:s8+s6], $0x400, s7, s6, $0x38;
	[tilespmem:$0xC800] =	vst v63  }
0xf8: {  	s0 =	rddreg [dreg:$0x7]  }
0xf9: {  	[tilespmem:s10], [sflag:$0x1] =	stream.strided.gather [hbm4b:s0+s6], $0x400, s7, s6, $0x38;
	[tilespmem:$0xC800] =	vst v63  }
0xfa: {  	s9 =	rddreg [dreg:$0x8]  }
0xfb: {  	[tilespmem:s31], [sflag:$0x1] =	stream.strided.gather [hbm4b:s9+s6], $0x400, s7, s6, $0x38;
	[tilespmem:$0xC800] =	vst v63  }
0xfc: {  	s0 =	rddreg [dreg:$0x9]  }
0xfd: {  	[tilespmem:s30], [sflag:$0x1] =	stream.strided.gather [hbm4b:s0+s6], $0x400, s7, s6, $0x38;
	[tilespmem:$0xC800] =	vst v63  }
0xfe: {  	s9 =	rddreg [dreg:$0xa]  }
0xff: {  	[tilespmem:s29], [sflag:$0x1] =	stream.strided.gather [hbm4b:s9+s6], $0x400, s7, s6, $0x38;
	[tilespmem:$0xC800] =	vst v63  }
0x100: {  	s0 =	rddreg [dreg:$0xb]  }
0x101: {  	[tilespmem:s28], [sflag:$0x1] =	stream.strided.gather [hbm4b:s0+s6], $0x400, s7, s6, $0x38;
	[tilespmem:$0xC800] =	vst v63  }
0x102: {  	s9 =	rddreg [dreg:$0xc]  }
0x103: {  	[tilespmem:s26], [sflag:$0x1] =	stream.strided.gather [hbm4b:s9+s6], $0x400, s7, s6, $0x38;
	[tilespmem:$0xC800] =	vst v63  }
0x104: {  	s0 =	rddreg [dreg:$0xd]  }
0x105: {  	[tilespmem:s25], [sflag:$0x1] =	stream.strided.gather [hbm4b:s0+s6], $0x400, s7, s6, $0x38;
	[tilespmem:$0xC800] =	vst v63  }
0x106: {  	s9 =	rddreg [dreg:$0xe]  }
0x107: {  	[tilespmem:s24], [sflag:$0x1] =	stream.strided.gather [hbm4b:s9+s6], $0x400, s7, s6, $0x38;
	[tilespmem:$0xC800] =	vst v63  }
0x108: {  	s0 =	rddreg [dreg:$0xf]  }
0x109: {  	[tilespmem:s23], [sflag:$0x1] =	stream.strided.gather [hbm4b:s0+s6], $0x400, s7, s6, $0x38;
	[tilespmem:$0xC800] =	vst v63  }
0x10a: {  	s9 =	rddreg [dreg:$0x10]  }
0x10b: {  	[tilespmem:s22], [sflag:$0x1] =	stream.strided.gather [hbm4b:s9+s6], $0x400, s7, s6, $0x38;
	[tilespmem:$0xC800] =	vst v63  }
0x10c: {  	s0 =	rddreg [dreg:$0x11]  }
0x10d: {  	[tilespmem:s21], [sflag:$0x1] =	stream.strided.gather [hbm4b:s0+s6], $0x400, s7, s6, $0x38;
	[tilespmem:$0xC800] =	vst v63  }
0x10e: {  	s9 =	rddreg [dreg:$0x12]  }
0x10f: {  	[tilespmem:s20], [sflag:$0x1] =	stream.strided.gather [hbm4b:s9+s6], $0x400, s7, s6, $0x38;
	[tilespmem:$0xC800] =	vst v63  }
0x110: {  	s0 =	rddreg [dreg:$0x13]  }
0x111: {  	[tilespmem:s19], [sflag:$0x1] =	stream.strided.gather [hbm4b:s0+s6], $0x400, s7, s6, $0x38;
	[tilespmem:$0xC800] =	vst v63  }
0x112: {  	s9 =	rddreg [dreg:$0x14]  }
0x113: {  	[tilespmem:s18], [sflag:$0x1] =	stream.strided.gather [hbm4b:s9+s6], $0x400, s7, s6, $0x38;
	[tilespmem:$0xC800] =	vst v63  }
0x114: {  	s0 =	rddreg [dreg:$0x15]  }
0x115: {  	[tilespmem:s17], [sflag:$0x1] =	stream.strided.gather [hbm4b:s0+s6], $0x400, s7, s6, $0x38;
	[tilespmem:$0xC800] =	vst v63  }
0x116: {  	s9 =	rddreg [dreg:$0x16]  }
0x117: {  	[tilespmem:s16], [sflag:$0x1] =	stream.strided.gather [hbm4b:s9+s6], $0x400, s7, s6, $0x38;
	[tilespmem:$0xC800] =	vst v63  }
0x118: {  	s0 =	rddreg [dreg:$0x17]  }
0x119: {  	[tilespmem:s15], [sflag:$0x1] =	stream.strided.gather [hbm4b:s0+s6], $0x400, s7, s6, $0x38;
	[tilespmem:$0xC800] =	vst v63  }
0x11a: {  	s9 =	rddreg [dreg:$0x18]  }
0x11b: {  	[tilespmem:s13], [sflag:$0x1] =	stream.strided.gather [hbm4b:s9+s6], $0x400, s7, s6, $0x38;
	[tilespmem:$0xC800] =	vst v63  }
0x11c: {  	s0 =	rddreg [dreg:$0x19];
	s9 =	simm.s32 $0x5000  }
0x11d: {  	[tilespmem:s9], [sflag:$0x1] =	stream.strided.gather [hbm4b:s0+s6], $0x400, s7, s6, $0x38;
	[tilespmem:$0xC800] =	vst v63  }
0x11e: {  	s8 =	rddreg [dreg:$0x1a];
	s9 =	simm.s32 $0x5400  }
0x11f: {  	[tilespmem:s9], [sflag:$0x1] =	stream.strided.gather [hbm4b:s8+s6], $0x400, s7, s6, $0x38;
	[tilespmem:$0xC800] =	vst v63  }
0x120: {  	s0 =	rddreg [dreg:$0x1b]  }
0x121: {  	[tilespmem:s14], [sflag:$0x1] =	stream.strided.gather [hbm4b:s0+s6], $0x400, s7, s6, $0x38;
	[tilespmem:$0xC800] =	vst v63  }
0x122: {  	s8 =	rddreg [dreg:$0x1c]  }
0x123: {  	[tilespmem:s11], [sflag:$0x1] =	stream.strided.gather [hbm4b:s8+s6], $0x400, s7, s6, $0x38;
	[tilespmem:$0xC800] =	vst v63  }
0x124: {  	s9 =	rddreg [dreg:$0x1d]  }
0x125: {  	[tilespmem:s12], [sflag:$0x1] =	stream.strided.gather [hbm4b:s9+s6], $0x400, s7, s6, $0x38;
	[tilespmem:$0xC800] =	vst v63  }
0x126: {  	_ =	swait.ge [sflag:s4], $0x400  }
0x127: {  	[sflag:s4] =	ssyncset.done $0x0  }
0x128: {  	[sflag:s4] =	ssyncadd.s32 $0xFFFFFC00  }
0x129: {  	_ =	swait.ge [sflag:s4], $0x400  }
0x12a: {  	[sflag:s4] =	ssyncset.done $0x0  }
0x12b: {  	[sflag:s4] =	ssyncadd.s32 $0xFFFFFC00  }
0x12c: {  	_ =	swait.ge [sflag:s4], $0x400  }
0x12d: {  	[sflag:s4] =	ssyncset.done $0x0  }
0x12e: {  	[sflag:s4] =	ssyncadd.s32 $0xFFFFFC00  }
0x12f: {  	_ =	swait.ge [sflag:s4], $0x400  }
0x130: {  	[sflag:s4] =	ssyncset.done $0x0  }
0x131: {  	[sflag:s4] =	ssyncadd.s32 $0xFFFFFC00  }
0x132: {  	_ =	swait.ge [sflag:s4], $0x400  }
0x133: {  	[sflag:s4] =	ssyncset.done $0x0  }
0x134: {  	[sflag:s4] =	ssyncadd.s32 $0xFFFFFC00  }
0x135: {  	_ =	swait.ge [sflag:s4], $0x400  }
0x136: {  	[sflag:s4] =	ssyncset.done $0x0  }
0x137: {  	[sflag:s4] =	ssyncadd.s32 $0xFFFFFC00  }
0x138: {  	_ =	swait.ge [sflag:s4], $0x400  }
0x139: {  	[sflag:s4] =	ssyncset.done $0x0  }
0x13a: {  	[sflag:s4] =	ssyncadd.s32 $0xFFFFFC00  }
0x13b: {  	_ =	swait.ge [sflag:s4], $0x400  }
0x13c: {  	[sflag:s4] =	ssyncset.done $0x0  }
0x13d: {  	[sflag:s4] =	ssyncadd.s32 $0xFFFFFC00  }
0x13e: {  	_ =	swait.ge [sflag:s4], $0x400  }
0x13f: {  	[sflag:s4] =	ssyncset.done $0x0  }
0x140: {  	[sflag:s4] =	ssyncadd.s32 $0xFFFFFC00  }
0x141: {  	_ =	swait.ge [sflag:s4], $0x400  }
0x142: {  	[sflag:s4] =	ssyncset.done $0x0  }
0x143: {  	[sflag:s4] =	ssyncadd.s32 $0xFFFFFC00  }
0x144: {  	_ =	swait.ge [sflag:s4], $0x400  }
0x145: {  	[sflag:s4] =	ssyncset.done $0x0  }
0x146: {  	[sflag:s4] =	ssyncadd.s32 $0xFFFFFC00  }
0x147: {  	_ =	swait.ge [sflag:s4], $0x400  }
0x148: {  	[sflag:s4] =	ssyncset.done $0x0  }
0x149: {  	[sflag:s4] =	ssyncadd.s32 $0xFFFFFC00  }
0x14a: {  	_ =	swait.ge [sflag:s4], $0x400  }
0x14b: {  	[sflag:s4] =	ssyncset.done $0x0  }
0x14c: {  	[sflag:s4] =	ssyncadd.s32 $0xFFFFFC00  }
0x14d: {  	_ =	swait.ge [sflag:s4], $0x400  }
0x14e: {  	[sflag:s4] =	ssyncset.done $0x0  }
0x14f: {  	[sflag:s4] =	ssyncadd.s32 $0xFFFFFC00  }
0x150: {  	_ =	swait.ge [sflag:s4], $0x400  }
0x151: {  	[sflag:s4] =	ssyncset.done $0x0  }
0x152: {  	[sflag:s4] =	ssyncadd.s32 $0xFFFFFC00  }
0x153: {  	_ =	swait.ge [sflag:s4], $0x400  }
0x154: {  	[sflag:s4] =	ssyncset.done $0x0  }
0x155: {  	[sflag:s4] =	ssyncadd.s32 $0xFFFFFC00  }
0x156: {  	_ =	swait.ge [sflag:s4], $0x400  }
0x157: {  	[sflag:s4] =	ssyncset.done $0x0  }
0x158: {  	[sflag:s4] =	ssyncadd.s32 $0xFFFFFC00  }
0x159: {  	_ =	swait.ge [sflag:s4], $0x400  }
0x15a: {  	[sflag:s4] =	ssyncset.done $0x0  }
0x15b: {  	[sflag:s4] =	ssyncadd.s32 $0xFFFFFC00  }
0x15c: {  	_ =	swait.ge [sflag:s4], $0x400  }
0x15d: {  	[sflag:s4] =	ssyncset.done $0x0  }
0x15e: {  	[sflag:s4] =	ssyncadd.s32 $0xFFFFFC00  }
0x15f: {  	_ =	swait.ge [sflag:s4], $0x400  }
0x160: {  	[sflag:s4] =	ssyncset.done $0x0  }
0x161: {  	[sflag:s4] =	ssyncadd.s32 $0xFFFFFC00  }
0x162: {  	_ =	swait.ge [sflag:s4], $0x400  }
0x163: {  	[sflag:s4] =	ssyncset.done $0x0  }
0x164: {  	[sflag:s4] =	ssyncadd.s32 $0xFFFFFC00  }
0x165: {  	_ =	swait.ge [sflag:s4], $0x400  }
0x166: {  	[sflag:s4] =	ssyncset.done $0x0  }
0x167: {  	[sflag:s4] =	ssyncadd.s32 $0xFFFFFC00  }
0x168: {  	_ =	swait.ge [sflag:s4], $0x400  }
0x169: {  	[sflag:s4] =	ssyncset.done $0x0  }
0x16a: {  	[sflag:s4] =	ssyncadd.s32 $0xFFFFFC00  }
0x16b: {  	_ =	swait.ge [sflag:s4], $0x400  }
0x16c: {  	[sflag:s4] =	ssyncset.done $0x0  }
0x16d: {  	[sflag:s4] =	ssyncadd.s32 $0xFFFFFC00  }
0x16e: {  	_ =	swait.ge [sflag:s4], $0x400  }
0x16f: {  	[sflag:s4] =	ssyncset.done $0x0  }
0x170: {  	s8 =	rddreg [dreg:$0x4];
	[sflag:s4] =	ssyncadd.s32 $0xFFFFFC00  }
0x171: {  	[tilespmem:s5], [sflag:$0x1] =	stream.indirect.gather [hbm4b:s8+s5], $0x1, s2, s5, $0xb8;
	[tilespmem:$0xC800] =	vst v63  }
0x172: {  	p1 =	sne.s32 s1, $0x1;
	_ =	swait.ge [sflag:s4], $0x6400  }
.Ltmp2:
0x173: {  	[sflag:s4] =	ssyncset.done $0x0;
	(pc) =	sbr.rel @p1 .LBB2_3-.Ltmp2, $4  }
0x174: {  	s9 =	rddreg [dreg:$0x1e];
	[sflag:s4] =	ssyncadd.s32 $0xFFFF9C00  }
0x175: {  	[hbm4b:s9+s2] =	stream.linear.scatter [tilespmem:s5], [sflag:$0x2], $0x6400, $0x38;
	[tilespmem:$0xC800] =	vst v63  }
0x176: {  	_ =	swait.ge [sflag:s3], $0x6400  }
0x177: {  	s1 =	sadd.s32 $0xFFFFFFFF, s1;
	s0 =	rddreg [dreg:$0x5];
	[sflag:s3] =	ssyncset.done $0x0  }
0x178: {  	s8 =	simm.s32 $0x5400;
	s9 =	simm.s32 $0x5000  }
0x179: {  	s10 =	simm.s32 $0x5C00;
	s11 =	simm.s32 $0x6000;
	s12 =	simm.s32 $0x4C00  }
0x17a: {  	s13 =	simm.s32 $0x5800;
	s14 =	simm.s32 $0x4800;
	s15 =	simm.s32 $0x4400  }
0x17b: {  	s16 =	simm.s32 $0x4000;
	s17 =	simm.s32 $0x3C00;
	s18 =	simm.s32 $0x3800  }
0x17c: {  	s19 =	simm.s32 $0x3400;
	s20 =	simm.s32 $0x3000;
	s21 =	simm.s32 $0x2C00  }
0x17d: {  	s22 =	simm.s32 $0x2800;
	s23 =	simm.s32 $0x2400;
	s24 =	simm.s32 $0x2000  }
0x17e: {  	s25 =	simm.s32 $0x1C00;
	s26 =	simm.s32 $0x1800;
	s28 =	simm.s32 $0x1400  }
0x17f: {  	s29 =	simm.s32 $0x1000;
	s30 =	simm.s32 $0xC00;
	s31 =	simm.s32 $0x800  }
.LBB2_5:
0x180: {  	[sflag:s3] =	ssyncadd.s32 @p0 $0xFFFF9C00  }
0x181: {  	[tilespmem:s2], [sflag:$0x1] =	stream.strided.gather [hbm4b:s0+s6], $0x400, s7, s6, $0x38;
	[tilespmem:$0xC800] =	vst v63  }
0x182: {  	s1 =	rddreg [dreg:$0x6]  }
0x183: {  	[tilespmem:s7], [sflag:$0x1] =	stream.strided.gather [hbm4b:s1+s6], $0x400, s7, s6, $0x38;
	[tilespmem:$0xC800] =	vst v63  }
0x184: {  	s0 =	rddreg [dreg:$0x7]  }
0x185: {  	[tilespmem:s31], [sflag:$0x1] =	stream.strided.gather [hbm4b:s0+s6], $0x400, s7, s6, $0x38;
	[tilespmem:$0xC800] =	vst v63  }
0x186: {  	s1 =	rddreg [dreg:$0x8]  }
0x187: {  	[tilespmem:s30], [sflag:$0x1] =	stream.strided.gather [hbm4b:s1+s6], $0x400, s7, s6, $0x38;
	[tilespmem:$0xC800] =	vst v63  }
0x188: {  	s31 =	rddreg [dreg:$0x9]  }
0x189: {  	[tilespmem:s29], [sflag:$0x1] =	stream.strided.gather [hbm4b:s31+s6], $0x400, s7, s6, $0x38;
	[tilespmem:$0xC800] =	vst v63  }
0x18a: {  	s30 =	rddreg [dreg:$0xa]  }
0x18b: {  	[tilespmem:s28], [sflag:$0x1] =	stream.strided.gather [hbm4b:s30+s6], $0x400, s7, s6, $0x38;
	[tilespmem:$0xC800] =	vst v63  }
0x18c: {  	s31 =	rddreg [dreg:$0xb]  }
0x18d: {  	[tilespmem:s26], [sflag:$0x1] =	stream.strided.gather [hbm4b:s31+s6], $0x400, s7, s6, $0x38;
	[tilespmem:$0xC800] =	vst v63  }
0x18e: {  	s29 =	rddreg [dreg:$0xc]  }
0x18f: {  	[tilespmem:s25], [sflag:$0x1] =	stream.strided.gather [hbm4b:s29+s6], $0x400, s7, s6, $0x38;
	[tilespmem:$0xC800] =	vst v63  }
0x190: {  	s30 =	rddreg [dreg:$0xd]  }
0x191: {  	[tilespmem:s24], [sflag:$0x1] =	stream.strided.gather [hbm4b:s30+s6], $0x400, s7, s6, $0x38;
	[tilespmem:$0xC800] =	vst v63  }
0x192: {  	s31 =	rddreg [dreg:$0xe]  }
0x193: {  	[tilespmem:s23], [sflag:$0x1] =	stream.strided.gather [hbm4b:s31+s6], $0x400, s7, s6, $0x38;
	[tilespmem:$0xC800] =	vst v63  }
0x194: {  	s25 =	rddreg [dreg:$0xf]  }
0x195: {  	[tilespmem:s22], [sflag:$0x1] =	stream.strided.gather [hbm4b:s25+s6], $0x400, s7, s6, $0x38;
	[tilespmem:$0xC800] =	vst v63  }
0x196: {  	s26 =	rddreg [dreg:$0x10]  }
0x197: {  	[tilespmem:s21], [sflag:$0x1] =	stream.strided.gather [hbm4b:s26+s6], $0x400, s7, s6, $0x38;
	[tilespmem:$0xC800] =	vst v63  }
0x198: {  	s28 =	rddreg [dreg:$0x11]  }
0x199: {  	[tilespmem:s20], [sflag:$0x1] =	stream.strided.gather [hbm4b:s28+s6], $0x400, s7, s6, $0x38;
	[tilespmem:$0xC800] =	vst v63  }
0x19a: {  	s29 =	rddreg [dreg:$0x12]  }
0x19b: {  	[tilespmem:s19], [sflag:$0x1] =	stream.strided.gather [hbm4b:s29+s6], $0x400, s7, s6, $0x38;
	[tilespmem:$0xC800] =	vst v63  }
0x19c: {  	s30 =	rddreg [dreg:$0x13]  }
0x19d: {  	[tilespmem:s18], [sflag:$0x1] =	stream.strided.gather [hbm4b:s30+s6], $0x400, s7, s6, $0x38;
	[tilespmem:$0xC800] =	vst v63  }
0x19e: {  	s31 =	rddreg [dreg:$0x14]  }
0x19f: {  	[tilespmem:s17], [sflag:$0x1] =	stream.strided.gather [hbm4b:s31+s6], $0x400, s7, s6, $0x38;
	[tilespmem:$0xC800] =	vst v63  }
0x1a0: {  	s19 =	rddreg [dreg:$0x15]  }
0x1a1: {  	[tilespmem:s16], [sflag:$0x1] =	stream.strided.gather [hbm4b:s19+s6], $0x400, s7, s6, $0x38;
	[tilespmem:$0xC800] =	vst v63  }
0x1a2: {  	s20 =	rddreg [dreg:$0x16]  }
0x1a3: {  	[tilespmem:s15], [sflag:$0x1] =	stream.strided.gather [hbm4b:s20+s6], $0x400, s7, s6, $0x38;
	[tilespmem:$0xC800] =	vst v63  }
0x1a4: {  	s21 =	rddreg [dreg:$0x17]  }
0x1a5: {  	[tilespmem:s14], [sflag:$0x1] =	stream.strided.gather [hbm4b:s21+s6], $0x400, s7, s6, $0x38;
	[tilespmem:$0xC800] =	vst v63  }
0x1a6: {  	s22 =	rddreg [dreg:$0x18]  }
0x1a7: {  	[tilespmem:s12], [sflag:$0x1] =	stream.strided.gather [hbm4b:s22+s6], $0x400, s7, s6, $0x38;
	[tilespmem:$0xC800] =	vst v63  }
0x1a8: {  	s23 =	rddreg [dreg:$0x19]  }
0x1a9: {  	[tilespmem:s9], [sflag:$0x1] =	stream.strided.gather [hbm4b:s23+s6], $0x400, s7, s6, $0x38;
	[tilespmem:$0xC800] =	vst v63  }
0x1aa: {  	s24 =	rddreg [dreg:$0x1a]  }
0x1ab: {  	[tilespmem:s8], [sflag:$0x1] =	stream.strided.gather [hbm4b:s24+s6], $0x400, s7, s6, $0x38;
	[tilespmem:$0xC800] =	vst v63  }
0x1ac: {  	s25 =	rddreg [dreg:$0x1b]  }
0x1ad: {  	[tilespmem:s13], [sflag:$0x1] =	stream.strided.gather [hbm4b:s25+s6], $0x400, s7, s6, $0x38;
	[tilespmem:$0xC800] =	vst v63  }
0x1ae: {  	s26 =	rddreg [dreg:$0x1c]  }
0x1af: {  	[tilespmem:s10], [sflag:$0x1] =	stream.strided.gather [hbm4b:s26+s6], $0x400, s7, s6, $0x38;
	[tilespmem:$0xC800] =	vst v63  }
0x1b0: {  	s28 =	rddreg [dreg:$0x1d]  }
0x1b1: {  	[tilespmem:s11], [sflag:$0x1] =	stream.strided.gather [hbm4b:s28+s6], $0x400, s7, s6, $0x38;
	[tilespmem:$0xC800] =	vst v63  }
0x1b2: {  	_ =	swait.ge [sflag:s4], $0x400  }
0x1b3: {  	[sflag:s4] =	ssyncset.done $0x0  }
0x1b4: {  	[sflag:s4] =	ssyncadd.s32 $0xFFFFFC00  }
0x1b5: {  	_ =	swait.ge [sflag:s4], $0x400  }
0x1b6: {  	[sflag:s4] =	ssyncset.done $0x0  }
0x1b7: {  	[sflag:s4] =	ssyncadd.s32 $0xFFFFFC00  }
0x1b8: {  	_ =	swait.ge [sflag:s4], $0x400  }
0x1b9: {  	[sflag:s4] =	ssyncset.done $0x0  }
0x1ba: {  	[sflag:s4] =	ssyncadd.s32 $0xFFFFFC00  }
0x1bb: {  	_ =	swait.ge [sflag:s4], $0x400  }
0x1bc: {  	[sflag:s4] =	ssyncset.done $0x0  }
0x1bd: {  	[sflag:s4] =	ssyncadd.s32 $0xFFFFFC00  }
0x1be: {  	_ =	swait.ge [sflag:s4], $0x400  }
0x1bf: {  	[sflag:s4] =	ssyncset.done $0x0  }
0x1c0: {  	[sflag:s4] =	ssyncadd.s32 $0xFFFFFC00  }
0x1c1: {  	_ =	swait.ge [sflag:s4], $0x400  }
0x1c2: {  	[sflag:s4] =	ssyncset.done $0x0  }
0x1c3: {  	[sflag:s4] =	ssyncadd.s32 $0xFFFFFC00  }
0x1c4: {  	_ =	swait.ge [sflag:s4], $0x400  }
0x1c5: {  	[sflag:s4] =	ssyncset.done $0x0  }
0x1c6: {  	[sflag:s4] =	ssyncadd.s32 $0xFFFFFC00  }
0x1c7: {  	_ =	swait.ge [sflag:s4], $0x400  }
0x1c8: {  	[sflag:s4] =	ssyncset.done $0x0  }
0x1c9: {  	[sflag:s4] =	ssyncadd.s32 $0xFFFFFC00  }
0x1ca: {  	_ =	swait.ge [sflag:s4], $0x400  }
0x1cb: {  	[sflag:s4] =	ssyncset.done $0x0  }
0x1cc: {  	[sflag:s4] =	ssyncadd.s32 $0xFFFFFC00  }
0x1cd: {  	_ =	swait.ge [sflag:s4], $0x400  }
0x1ce: {  	[sflag:s4] =	ssyncset.done $0x0  }
0x1cf: {  	[sflag:s4] =	ssyncadd.s32 $0xFFFFFC00  }
0x1d0: {  	_ =	swait.ge [sflag:s4], $0x400  }
0x1d1: {  	[sflag:s4] =	ssyncset.done $0x0  }
0x1d2: {  	[sflag:s4] =	ssyncadd.s32 $0xFFFFFC00  }
0x1d3: {  	_ =	swait.ge [sflag:s4], $0x400  }
0x1d4: {  	[sflag:s4] =	ssyncset.done $0x0  }
0x1d5: {  	[sflag:s4] =	ssyncadd.s32 $0xFFFFFC00  }
0x1d6: {  	_ =	swait.ge [sflag:s4], $0x400  }
0x1d7: {  	[sflag:s4] =	ssyncset.done $0x0  }
0x1d8: {  	[sflag:s4] =	ssyncadd.s32 $0xFFFFFC00  }
0x1d9: {  	_ =	swait.ge [sflag:s4], $0x400  }
0x1da: {  	[sflag:s4] =	ssyncset.done $0x0  }
0x1db: {  	[sflag:s4] =	ssyncadd.s32 $0xFFFFFC00  }
0x1dc: {  	_ =	swait.ge [sflag:s4], $0x400  }
0x1dd: {  	[sflag:s4] =	ssyncset.done $0x0  }
0x1de: {  	[sflag:s4] =	ssyncadd.s32 $0xFFFFFC00  }
0x1df: {  	_ =	swait.ge [sflag:s4], $0x400  }
0x1e0: {  	[sflag:s4] =	ssyncset.done $0x0  }
0x1e1: {  	[sflag:s4] =	ssyncadd.s32 $0xFFFFFC00  }
0x1e2: {  	_ =	swait.ge [sflag:s4], $0x400  }
0x1e3: {  	[sflag:s4] =	ssyncset.done $0x0  }
0x1e4: {  	[sflag:s4] =	ssyncadd.s32 $0xFFFFFC00  }
0x1e5: {  	_ =	swait.ge [sflag:s4], $0x400  }
0x1e6: {  	[sflag:s4] =	ssyncset.done $0x0  }
0x1e7: {  	[sflag:s4] =	ssyncadd.s32 $0xFFFFFC00  }
0x1e8: {  	_ =	swait.ge [sflag:s4], $0x400  }
0x1e9: {  	[sflag:s4] =	ssyncset.done $0x0  }
0x1ea: {  	[sflag:s4] =	ssyncadd.s32 $0xFFFFFC00  }
0x1eb: {  	_ =	swait.ge [sflag:s4], $0x400  }
0x1ec: {  	[sflag:s4] =	ssyncset.done $0x0  }
0x1ed: {  	[sflag:s4] =	ssyncadd.s32 $0xFFFFFC00  }
0x1ee: {  	_ =	swait.ge [sflag:s4], $0x400  }
0x1ef: {  	[sflag:s4] =	ssyncset.done $0x0  }
0x1f0: {  	[sflag:s4] =	ssyncadd.s32 $0xFFFFFC00  }
0x1f1: {  	_ =	swait.ge [sflag:s4], $0x400  }
0x1f2: {  	[sflag:s4] =	ssyncset.done $0x0  }
0x1f3: {  	[sflag:s4] =	ssyncadd.s32 $0xFFFFFC00  }
0x1f4: {  	_ =	swait.ge [sflag:s4], $0x400  }
0x1f5: {  	[sflag:s4] =	ssyncset.done $0x0  }
0x1f6: {  	[sflag:s4] =	ssyncadd.s32 $0xFFFFFC00  }
0x1f7: {  	_ =	swait.ge [sflag:s4], $0x400  }
0x1f8: {  	[sflag:s4] =	ssyncset.done $0x0  }
0x1f9: {  	[sflag:s4] =	ssyncadd.s32 $0xFFFFFC00  }
0x1fa: {  	_ =	swait.ge [sflag:s4], $0x400  }
0x1fb: {  	[sflag:s4] =	ssyncset.done $0x0  }
0x1fc: {  	s29 =	rddreg [dreg:$0x4];
	[sflag:s4] =	ssyncadd.s32 $0xFFFFFC00  }
0x1fd: {  	[tilespmem:s5], [sflag:$0x1] =	stream.indirect.gather [hbm4b:s29+s5], $0x1, s2, s5, $0xb8;
	[tilespmem:$0xC800] =	vst v63  }
0x1fe: {  	_ =	swait.ge [sflag:s4], $0x6400  }
0x1ff: {  	[sflag:s4] =	ssyncset.done $0x0  }
0x200: {  	s30 =	rddreg [dreg:$0x1e];
	[sflag:s4] =	ssyncadd.s32 $0xFFFF9C00  }
0x201: {  	[hbm4b:s30+s2] =	stream.linear.scatter [tilespmem:s5], [sflag:$0x2], $0x6400, $0x38;
	[tilespmem:$0xC800] =	vst v63  }
0x202: {  	_ =	swait.ge [sflag:s3], $0x6400  }
0x203: {  	[sflag:s3] =	ssyncset.done $0x0  }
0x204: {  	[sflag:s3] =	ssyncadd.s32 $0xFFFF9C00  }
0x205: {  	_ =	sfence.sel $0x180000  }
0x206: {  	[bflag:$0x0] =	sbarrier.arrive $0xFFFF  }
0x207: {  	_ =	strace $0x90000047  }
0x208: {  	s31 =	stileid.u32;
	[bflag:$0x2] =	sbarrier.arrive $0xFFFF  }
0x209: {  	p0 =	sne.s32 s31, $0x0;
	s0 =	rddreg [dreg:$0x3]  }
0x20a: {  	s0 =	sadd.s32 @!p0 $0x100000, s0  }
0x20b: {  	[sflag:s0] =	ssyncadd.tile.s32 @!p0 $0x1;
	_ =	shalt  }
.LBB2_2:
0x20c: {  	s8 =	simm.s32 $0x5400;
	s9 =	simm.s32 $0x5000;
	s10 =	simm.s32 $0x5C00  }
0x20d: {  	s11 =	simm.s32 $0x6000;
	s12 =	simm.s32 $0x4C00;
	s13 =	simm.s32 $0x5800  }
0x20e: {  	s14 =	simm.s32 $0x4800;
	s15 =	simm.s32 $0x4400;
	s16 =	simm.s32 $0x4000  }
.Ltmp3:
0x20f: {  	s17 =	simm.s32 $0x3C00;
	s18 =	simm.s32 $0x3800;
	(pc) =	sbr.rel .LBB2_5-.Ltmp3, $4  }
0x210: {  	s19 =	simm.s32 $0x3400;
	s20 =	simm.s32 $0x3000;
	s21 =	simm.s32 $0x2C00  }
0x211: {  	s22 =	simm.s32 $0x2800;
	s23 =	simm.s32 $0x2400;
	s24 =	simm.s32 $0x2000  }
0x212: {  	s25 =	simm.s32 $0x1C00;
	s26 =	simm.s32 $0x1800;
	s28 =	simm.s32 $0x1400  }
0x213: {  	s29 =	simm.s32 $0x1000;
	s30 =	simm.s32 $0xC00;
	s31 =	simm.s32 $0x800  }
.Lfunc_end2:
_tile_overlayer_lowered:
.L_overlay_start_2:
0x214: {  	(tag) =	ssettag $0x2  }
0x215: {  	s0 =	rddreg [dreg:$0x0];
	s2 =	stileid.u32  }
0x216: {  	s1 =	rddreg [dreg:$0x1];
	p0 =	sne.s32 s2, $0x0  }
0x217: {  	s3 =	rddreg [dreg:$0x2];
	[bflag:$0x3] =	sbarrier.arrive $0xFFFF;
	s2 =	simm.s32 @!p0 $0x1C02  }
0x218: {  	[timem:s3], [sflag:s2] =	dma.local @!p0 [hbm:s0], s1  }
0x219: {  	s0 =	simm.s32 @!p0 $0x2  }
0x21a: {  	_ =	swait.ge @!p0 [sflag:s0], s1  }
0x21b: {  	s1 =	ssub.s32 @!p0 $0x0, s1;
	[sflag:s0] =	ssyncset.done @!p0 $0x0  }
0x21c: {  	[sflag:s0] =	ssyncadd.s32 @!p0 s1  }
0x21d: {  	[bflag:$0x3] =	sbarrier.arrive $0xFFFF  }
0x21e: {  	_ =	shalt  }

</sc_bundles>
